<compile_context>
chip_gen: v7x
topology: tpu7x:2x2x1
jax: 0.10.2.dev20260603
libtpu: 0.0.44.dev20260713+nightly
codegen_flags: <defaults>
</compile_context>

<pallas_src>
import functools

import jax
import jax.numpy as jnp
from jax import lax
from jax.experimental import pallas as pl



def _mm_kernel(x_ref, w_ref, b_ref, o_ref, *, act):
    acc = jnp.dot(x_ref[...], w_ref[...], preferred_element_type=jnp.float32)
    acc = acc + b_ref[...]
    if act == "leaky":
        acc = jnp.where(acc >= 0, acc, 0.01 * acc)
    o_ref[...] = acc


def _mm(x2d, w2d, b, act, bm):
    M, K = x2d.shape
    N = w2d.shape[1]
    return pl.pallas_call(
        functools.partial(_mm_kernel, act=act),
        grid=(M // bm,),
        in_specs=[
            pl.BlockSpec((bm, K), lambda i: (i, 0)),
            pl.BlockSpec((K, N), lambda i: (0, 0)),
            pl.BlockSpec((1, N), lambda i: (0, 0)),
        ],
        out_specs=pl.BlockSpec((bm, N), lambda i: (i, 0)),
        out_shape=jax.ShapeDtypeStruct((M, N), jnp.float32),
    )(x2d, w2d, b.reshape(1, N))



def _wconv_kernel(*refs, act, win, wo, rows_per, col_off):
    nrows = win + rows_per - 1
    rows = refs[:nrows]
    w_ref, b_ref, o_ref = refs[nrows], refs[nrows + 1], refs[nrows + 2]
    pieces = []
    for r in range(rows_per):
        for ey in range(win):
            rr = rows[r + ey][0, 0]
            for ex in range(win):
                pieces.append(rr[col_off + ex: col_off + ex + wo, :])
    per_row = win * win
    x = jnp.concatenate(
        [jnp.concatenate(pieces[r * per_row:(r + 1) * per_row], axis=1)
         for r in range(rows_per)], axis=0)
    acc = jnp.dot(x, w_ref[...], preferred_element_type=jnp.float32)
    acc = acc + b_ref[...]
    if act == "leaky":
        acc = jnp.where(acc >= 0, acc, 0.01 * acc)
    elif act == "tanh":
        acc = jnp.tanh(acc)
    nout = o_ref.shape[3]
    o_ref[0] = acc[:, :nout].reshape(rows_per, wo, nout)


def _wconv(xpad, wmat, b, act, win, nout, rows_per=1, col_off=0, row_off=0, ho=None, wo=None):
    B, Hp, Wp, C = xpad.shape
    Ho = (Hp - win + 1 - 2 * row_off) if ho is None else ho
    Wo = (Wp - win + 1 - 2 * col_off) if wo is None else wo
    N = wmat.shape[1]
    nrows = win + rows_per - 1
    row_spec = [
        pl.BlockSpec((1, 1, Wp, C),
                     functools.partial(lambda k, bi, i: (bi, rows_per * i + k, 0, 0),
                                       k + row_off))
        for k in range(nrows)
    ]
    return pl.pallas_call(
        functools.partial(_wconv_kernel, act=act, win=win, wo=Wo,
                          rows_per=rows_per, col_off=col_off),
        grid=(B, Ho // rows_per),
        in_specs=row_spec + [
            pl.BlockSpec((win * win * C, N), lambda bi, i: (0, 0)),
            pl.BlockSpec((1, N), lambda bi, i: (0, 0)),
        ],
        out_specs=pl.BlockSpec((1, rows_per, Wo, nout), lambda bi, i: (bi, i, 0, 0)),
        out_shape=jax.ShapeDtypeStruct((B, Ho, Wo, nout), jnp.float32),
    )(*([xpad] * nrows), wmat, b.reshape(1, N))



def _ct1_kernel(r0, r1, r2, w_ref, b_ref, o_ref, *, wo, oc):
    s = pl.program_id(1)
    nsteps = pl.num_programs(1)

    @pl.when(jnp.logical_or(s == 0, s == nsteps - 1))
    def _border():
        o_ref[0] = jnp.zeros_like(o_ref)[0]

    @pl.when(jnp.logical_and(s > 0, s < nsteps - 1))
    def _body():
        pieces = []
        for ey in range(3):
            rr = (r0, r1, r2)[ey][0, 0]
            for ex in range(3):
                pieces.append(rr[ex:ex + wo, :])
        x = jnp.concatenate(pieces, axis=1)
        acc = jnp.dot(x, w_ref[...], preferred_element_type=jnp.float32)
        acc = acc + b_ref[...]
        acc = jnp.where(acc >= 0, acc, 0.01 * acc)
        out = []
        for py in range(2):
            p0 = acc[:, (2 * py) * oc:(2 * py + 1) * oc]
            p1 = acc[:, (2 * py + 1) * oc:(2 * py + 2) * oc]
            row = jnp.stack([p0, p1], axis=1).reshape(2 * wo, oc)
            out.append(jnp.pad(row, ((2, 2), (0, 0))))
        o_ref[0] = jnp.stack(out, axis=0)


def _ct1(qpad, wmat, b, oc):
    B, Hp, Wp, C = qpad.shape
    Ho, Wo = Hp - 2, Wp - 2
    N = wmat.shape[1]
    row_spec = [
        pl.BlockSpec((1, 1, Wp, C),
                     functools.partial(
                         lambda k, bi, s: (bi, jnp.clip(s - 1 + k, 0, Hp - 1), 0, 0), k))
        for k in range(3)
    ]
    return pl.pallas_call(
        functools.partial(_ct1_kernel, wo=Wo, oc=oc),
        grid=(B, Ho + 2),
        in_specs=row_spec + [
            pl.BlockSpec((9 * C, N), lambda bi, s: (0, 0)),
            pl.BlockSpec((1, N), lambda bi, s: (0, 0)),
        ],
        out_specs=pl.BlockSpec((1, 2, 2 * Wo + 4, oc), lambda bi, s: (bi, s, 0, 0)),
        out_shape=jax.ShapeDtypeStruct((B, 2 * Ho + 4, 2 * Wo + 4, oc), jnp.float32),
    )(qpad, qpad, qpad, wmat, b.reshape(1, N))



def _vq_kernel(f_ref, e_ref, q_ref, loss_ref):
    i = pl.program_id(0)
    f = f_ref[...]
    e = e_ref[...]
    dist = (jnp.sum(f ** 2, axis=1, keepdims=True) + jnp.sum(e ** 2, axis=1)
            - 2.0 * jnp.dot(f, e.T, preferred_element_type=jnp.float32))
    m = jnp.min(dist, axis=1)
    iota = lax.broadcasted_iota(jnp.int32, dist.shape, 1)
    masked = jnp.where(dist == m[:, None], iota, dist.shape[1])
    idx = jnp.min(masked, axis=1)
    oh = (iota == idx[:, None]).astype(jnp.float32)
    q = jnp.dot(oh, e, preferred_element_type=jnp.float32)
    q_ref[...] = q
    r = q - f
    part = jnp.sum(r * r)

    @pl.when(i == 0)
    def _init():
        loss_ref[...] = jnp.zeros_like(loss_ref)

    loss_ref[...] += part


def _vq(flat, embedding, bm):
    M, D = flat.shape
    K = embedding.shape[0]
    return pl.pallas_call(
        _vq_kernel,
        grid=(M // bm,),
        in_specs=[
            pl.BlockSpec((bm, D), lambda i: (i, 0)),
            pl.BlockSpec((K, D), lambda i: (0, 0)),
        ],
        out_specs=[
            pl.BlockSpec((bm, D), lambda i: (i, 0)),
            pl.BlockSpec((1, 128), lambda i: (0, 0)),
        ],
        out_shape=[
            jax.ShapeDtypeStruct((M, D), jnp.float32),
            jax.ShapeDtypeStruct((1, 128), jnp.float32),
        ],
    )(flat, embedding)



def _s2d(x):
    B, H, W, C = x.shape
    xp = jnp.pad(x, ((0, 0), (1, 1), (1, 1), (0, 0)))
    v = xp.reshape(B, H // 2 + 1, 2, W // 2 + 1, 2, C)
    return v.transpose(0, 1, 3, 2, 4, 5).reshape(B, H // 2 + 1, W // 2 + 1, 4 * C)


def _enc_wmat(w):
    C, O = w.shape[2], w.shape[3]
    wm = jnp.zeros((2, 2, 2, 2, C, O), w.dtype)
    for ky in range(4):
        for kx in range(4):
            wm = wm.at[ky >> 1, kx >> 1, ky & 1, kx & 1].set(w[ky, kx])
    return wm.reshape(16 * C, O)


def _dec_wmat(w, npad):
    C, O = w.shape[2], w.shape[3]
    wm = jnp.zeros((3, 3, C, 2, 2, O), w.dtype)
    for py in range(2):
        for px in range(2):
            for dy in range(2):
                for dx in range(2):
                    wm = wm.at[py + dy, px + dx, :, py, px, :].set(w[2 * dy + py, 2 * dx + px])
    wm = wm.reshape(9 * C, 4 * O)
    return jnp.pad(wm, ((0, 0), (0, npad - 4 * O)))


def _deinterleave(o, B, H, W, O):
    v = o.reshape(B, H, W, 2, 2, O)
    return v.transpose(0, 1, 3, 2, 4, 5).reshape(B, 2 * H, 2 * W, O)



def kernel(x, w1, b1, w2, b2, w3, b3, embedding, dw1, db1, dw2, db2):
    beta = 0.25
    B, H, W, Cin = x.shape
    h1 = w1.shape[3]
    h2 = w2.shape[3]
    D = w3.shape[3]

    sx = _s2d(x)
    p1 = jnp.concatenate(
        [sx[:, dy:dy + H // 2, dx:dx + W // 2, :] for dy in range(2) for dx in range(2)],
        axis=3).reshape(-1, 16 * Cin)
    e1 = _mm(p1, _enc_wmat(w1), b1, "leaky", 1024)
    e1 = e1.reshape(B, H // 2, W // 2, h1)

    se1 = _s2d(e1)
    e2 = _wconv(se1, _enc_wmat(w2), b2, "leaky", 2, h2, rows_per=4)

    enc = _mm(e2.reshape(-1, h2), w3.reshape(-1, D), b3, "none", 3584)

    Hq, Wq = H // 4, W // 4
    lat = enc.reshape(B, Hq, Wq, D).transpose(0, 2, 3, 1)
    flat = lat.reshape(-1, D)
    qf, loss_vec = _vq(flat, embedding, 512)
    vq_loss = (1.0 + beta) * loss_vec[0, 0] / (flat.shape[0] * D)
    q = qf.reshape(B, Wq, D, Hq).transpose(0, 3, 1, 2)

    qp = jnp.pad(q, ((0, 0), (1, 1), (1, 1), (0, 0)))
    d1full = _ct1(qp, _dec_wmat(dw1, 4 * h2), jnp.tile(db1, 4), h2)
    d2p = _wconv(d1full, _dec_wmat(dw2, 128), jnp.pad(jnp.tile(db2, 4), (0, 116)),
                 "tanh", 3, 4 * Cin, rows_per=4, col_off=1, row_off=1)
    recon = _deinterleave(d2p, B, H // 2, W // 2, Cin)

    return recon, vq_loss

# --- scband reference (transcript-rebuilt; emitter-appended) ---
"""Pipeline reference for scband-vqvae-2027224564517 (READ-ONLY COPY).

The authoritative reference and input builder live on the scoring server;
editing this copy changes nothing except your own understanding.
"""

import jax, jax.numpy as jnp
import numpy as np
from jax import lax


def _conv(x, w, b, s):
    return lax.conv_general_dilated(x, w, (s, s), 'SAME', dimension_numbers=('NHWC', 'HWIO', 'NHWC')) + b


def _convT(x, w, b, s):
    return lax.conv_transpose(x, w, (s, s), 'SAME', dimension_numbers=('NHWC', 'HWIO', 'NHWC')) + b


def setup_inputs(seed: int = 0) -> dict:
    key = jax.random.key(seed)
    ks = jax.random.split(key, 8)
    B, H, W, Cin = 8, 224, 224, 3
    D, K = 64, 512
    h1, h2 = 128, 256
    def nrm(k, shape, scale):
        return jax.random.normal(k, shape, jnp.float32) * scale
    x = jax.random.normal(ks[0], (B, H, W, Cin), jnp.float32)
    w1 = nrm(ks[1], (4, 4, Cin, h1), 0.05)
    b1 = jnp.zeros((h1,), jnp.float32)
    w2 = nrm(ks[2], (4, 4, h1, h2), 0.02)
    b2 = jnp.zeros((h2,), jnp.float32)
    w3 = nrm(ks[3], (1, 1, h2, D), 0.05)
    b3 = jnp.zeros((D,), jnp.float32)
    embedding = jax.random.uniform(ks[4], (K, D), jnp.float32) * (1.0 / K)
    dw1 = nrm(ks[5], (4, 4, D, h2), 0.03)
    db1 = jnp.zeros((h2,), jnp.float32)
    dw2 = nrm(ks[6], (4, 4, h2, Cin), 0.02)
    db2 = jnp.zeros((Cin,), jnp.float32)
    return {'x': x, 'w1': w1, 'b1': b1, 'w2': w2, 'b2': b2, 'w3': w3, 'b3': b3,
            'embedding': embedding, 'dw1': dw1, 'db1': db1, 'dw2': dw2, 'db2': db2}


def reference(x, w1, b1, w2, b2, w3, b3, embedding, dw1, db1, dw2, db2):
    beta = 0.25
    # encoder
    h = jax.nn.leaky_relu(_conv(x, w1, b1, 2))
    h = jax.nn.leaky_relu(_conv(h, w2, b2, 2))
    enc = _conv(h, w3, b3, 1)
    # vector quantizer (faithful to original, including the (0,2,3,1) transpose)
    lat = jnp.transpose(enc, (0, 2, 3, 1))
    D = embedding.shape[1]
    flat = lat.reshape(-1, D)
    dist = jnp.sum(flat ** 2, axis=1, keepdims=True) + jnp.sum(embedding ** 2, axis=1) - 2 * jnp.dot(flat, embedding.T)
    idx = jnp.argmin(dist, axis=1)
    onehot = jax.nn.one_hot(idx, embedding.shape[0], dtype=flat.dtype)
    q = jnp.dot(onehot, embedding).reshape(lat.shape)
    commitment_loss = jnp.mean((jax.lax.stop_gradient(q) - lat) ** 2)
    embedding_loss = jnp.mean((q - jax.lax.stop_gradient(lat)) ** 2)
    vq_loss = embedding_loss + beta * commitment_loss
    q = lat + jax.lax.stop_gradient(q - lat)
    q = jnp.transpose(q, (0, 3, 1, 2))
    # decoder
    d = jax.nn.leaky_relu(_convT(q, dw1, db1, 2))
    reconstruction = jnp.tanh(_convT(d, dw2, db2, 2))
    return reconstruction, vq_loss

if __name__ == "__main__":
    import jax
    _d = setup_inputs()
    print(jax.jit(kernel)(*tuple(_d.values())))

</pallas_src>

<mosaic_0001>
module attributes {stable_mosaic.version = 14 : i64} {
  func.func @_mm_kernel(%arg0: i32, %arg1: memref<1024x48xf32, #tpu.memory_space<vmem>>, %arg2: memref<48x128xf32, #tpu.memory_space<vmem>>, %arg3: memref<1x128xf32, #tpu.memory_space<vmem>>, %arg4: memref<1024x128xf32, #tpu.memory_space<vmem>>) attributes {dimension_semantics = [#tpu.dimension_semantics<arbitrary>], iteration_bounds = array<i64: 98>, scalar_prefetch = 0 : i64, scratch_operands = 0 : i64, tpu.core_type = #tpu.core_type<tc>, window_params = [{transform_indices = @transform_0, window_bounds = array<i64: 1024, 48>}, {pipeline_mode = #tpu.pipeline_mode<synchronous>, transform_indices = @transform_1, window_bounds = array<i64: 48, 128>}, {pipeline_mode = #tpu.pipeline_mode<synchronous>, transform_indices = @transform_2, window_bounds = array<i64: 1, 128>}, {transform_indices = @transform_3, window_bounds = array<i64: 1024, 128>}]} {
    %get3A = arith.constant 0 : index
    %get3A_0 = arith.constant 0 : index
    %get3A_1 = vector.load %arg1[%get3A, %get3A_0] : memref<1024x48xf32, #tpu.memory_space<vmem>>, vector<1024x48xf32>
    %get3A_2 = arith.constant 0 : index
    %get3A_3 = arith.constant 0 : index
    %get3A_4 = vector.load %arg2[%get3A_2, %get3A_3] : memref<48x128xf32, #tpu.memory_space<vmem>>, vector<48x128xf32>
    %dot_general3A = arith.constant dense<0.000000e+00> : vector<1024x128xf32>
    %dot_general3A_5 = tpu.matmul %get3A_1, %get3A_4, %dot_general3A {dimension_numbers = #tpu.dot_dimension_numbers<[1], [0], [0], [1], [0, 0, 1, 1], [], []>, transpose_lhs_hint = false} : vector<1024x48xf32>, vector<48x128xf32>, vector<1024x128xf32> -> vector<1024x128xf32>
    %get3A_6 = arith.constant 0 : index
    %get3A_7 = arith.constant 0 : index
    %get3A_8 = vector.load %arg3[%get3A_6, %get3A_7] : memref<1x128xf32, #tpu.memory_space<vmem>>, vector<1x128xf32>
    %add3A = vector.broadcast %get3A_8 : vector<1x128xf32> to vector<1024x128xf32>
    %add3A_9 = arith.addf %dot_general3A_5, %add3A : vector<1024x128xf32>
    %ge3A = arith.constant 0.000000e+00 : f32
    %ge3A_10 = vector.broadcast %ge3A : f32 to vector<1024x128xf32>
    %ge3A_11 = arith.cmpf oge, %add3A_9, %ge3A_10 : vector<1024x128xf32>
    %mul3A = arith.constant 0.00999999977 : f32
    %mul3A_12 = vector.broadcast %mul3A : f32 to vector<1024x128xf32>
    %mul3A_13 = arith.mulf %mul3A_12, %add3A_9 : vector<1024x128xf32>
    %select_n3A = arith.select %ge3A_11, %add3A_9, %mul3A_13 : vector<1024x128xi1>, vector<1024x128xf32>
    %swap3A = arith.constant 0 : index
    %swap3A_14 = arith.constant 0 : index
    %swap3A_15 = vector.load %arg4[%swap3A, %swap3A_14] : memref<1024x128xf32, #tpu.memory_space<vmem>>, vector<1024x128xf32>
    tpu.vector_store %arg4[%swap3A, %swap3A_14], %select_n3A {strides = array<i32>} : memref<1024x128xf32, #tpu.memory_space<vmem>>, vector<1024x128xf32>,
    return
  }
  func.func @transform_0(%arg0: i32) -> (i32, i32) {
    %c0_i32 = arith.constant 0 : i32
    %c0_i32_0 = arith.constant 0 : i32
    return %arg0, %c0_i32 : i32, i32
  }
  func.func @transform_1(%arg0: i32) -> (i32, i32) {
    %c0_i32 = arith.constant 0 : i32
    %c0_i32_0 = arith.constant 0 : i32
    %c0_i32_1 = arith.constant 0 : i32
    return %c0_i32, %c0_i32_0 : i32, i32
  }
  func.func @transform_2(%arg0: i32) -> (i32, i32) {
    %c0_i32 = arith.constant 0 : i32
    %c0_i32_0 = arith.constant 0 : i32
    %c0_i32_1 = arith.constant 0 : i32
    return %c0_i32, %c0_i32_0 : i32, i32
  }
  func.func @transform_3(%arg0: i32) -> (i32, i32) {
    %c0_i32 = arith.constant 0 : i32
    %c0_i32_0 = arith.constant 0 : i32
    return %arg0, %c0_i32 : i32, i32
  }
}

module attributes {stable_mosaic.version = 14 : i64} {
  func.func @_wconv_kernel(%arg0: i32, %arg1: i32, %arg2: memref<1x1x57x512xf32, #tpu.memory_space<vmem>>, %arg3: memref<1x1x57x512xf32, #tpu.memory_space<vmem>>, %arg4: memref<1x1x57x512xf32, #tpu.memory_space<vmem>>, %arg5: memref<1x1x57x512xf32, #tpu.memory_space<vmem>>, %arg6: memref<1x1x57x512xf32, #tpu.memory_space<vmem>>, %arg7: memref<2048x256xf32, #tpu.memory_space<vmem>>, %arg8: memref<1x256xf32, #tpu.memory_space<vmem>>, %arg9: memref<1x4x56x256xf32, #tpu.memory_space<vmem>>) attributes {dimension_semantics = [#tpu.dimension_semantics<arbitrary>, #tpu.dimension_semantics<arbitrary>], iteration_bounds = array<i64: 8, 14>, scalar_prefetch = 0 : i64, scratch_operands = 0 : i64, tpu.core_type = #tpu.core_type<tc>, window_params = [{transform_indices = @transform_0, window_bounds = array<i64: 1, 1, 57, 512>}, {transform_indices = @transform_1, window_bounds = array<i64: 1, 1, 57, 512>}, {transform_indices = @transform_2, window_bounds = array<i64: 1, 1, 57, 512>}, {transform_indices = @transform_3, window_bounds = array<i64: 1, 1, 57, 512>}, {transform_indices = @transform_4, window_bounds = array<i64: 1, 1, 57, 512>}, {pipeline_mode = #tpu.pipeline_mode<synchronous>, transform_indices = @transform_5, window_bounds = array<i64: 2048, 256>}, {pipeline_mode = #tpu.pipeline_mode<synchronous>, transform_indices = @transform_6, window_bounds = array<i64: 1, 256>}, {transform_indices = @transform_7, window_bounds = array<i64: 1, 4, 56, 256>}]} {
    %get3A = arith.constant 0 : index
    %get3A_0 = arith.constant 0 : index
    %get3A_1 = arith.constant 0 : index
    %get3A_2 = arith.constant 0 : index
    %get3A_3 = vector.load %arg2[%get3A, %get3A_0, %get3A_1, %get3A_2] : memref<1x1x57x512xf32, #tpu.memory_space<vmem>>, vector<1x1x57x512xf32>
    %get3A_4 = vector.shape_cast %get3A_3 : vector<1x1x57x512xf32> to vector<57x512xf32>
    %slice3A = vector.extract_strided_slice %get3A_4 {offsets = [0, 0], sizes = [56, 512], strides = [1, 1]} : vector<57x512xf32> to vector<56x512xf32>
    %slice3A_5 = vector.extract_strided_slice %get3A_4 {offsets = [1, 0], sizes = [56, 512], strides = [1, 1]} : vector<57x512xf32> to vector<56x512xf32>
    %get3A_6 = arith.constant 0 : index
    %get3A_7 = arith.constant 0 : index
    %get3A_8 = arith.constant 0 : index
    %get3A_9 = arith.constant 0 : index
    %get3A_10 = vector.load %arg3[%get3A_6, %get3A_7, %get3A_8, %get3A_9] : memref<1x1x57x512xf32, #tpu.memory_space<vmem>>, vector<1x1x57x512xf32>
    %get3A_11 = vector.shape_cast %get3A_10 : vector<1x1x57x512xf32> to vector<57x512xf32>
    %slice3A_12 = vector.extract_strided_slice %get3A_11 {offsets = [0, 0], sizes = [56, 512], strides = [1, 1]} : vector<57x512xf32> to vector<56x512xf32>
    %slice3A_13 = vector.extract_strided_slice %get3A_11 {offsets = [1, 0], sizes = [56, 512], strides = [1, 1]} : vector<57x512xf32> to vector<56x512xf32>
    %get3A_14 = arith.constant 0 : index
    %get3A_15 = arith.constant 0 : index
    %get3A_16 = arith.constant 0 : index
    %get3A_17 = arith.constant 0 : index
    %get3A_18 = vector.load %arg3[%get3A_14, %get3A_15, %get3A_16, %get3A_17] : memref<1x1x57x512xf32, #tpu.memory_space<vmem>>, vector<1x1x57x512xf32>
    %get3A_19 = vector.shape_cast %get3A_18 : vector<1x1x57x512xf32> to vector<57x512xf32>
    %slice3A_20 = vector.extract_strided_slice %get3A_19 {offsets = [0, 0], sizes = [56, 512], strides = [1, 1]} : vector<57x512xf32> to vector<56x512xf32>
    %slice3A_21 = vector.extract_strided_slice %get3A_19 {offsets = [1, 0], sizes = [56, 512], strides = [1, 1]} : vector<57x512xf32> to vector<56x512xf32>
    %get3A_22 = arith.constant 0 : index
    %get3A_23 = arith.constant 0 : index
    %get3A_24 = arith.constant 0 : index
    %get3A_25 = arith.constant 0 : index
    %get3A_26 = vector.load %arg4[%get3A_22, %get3A_23, %get3A_24, %get3A_25] : memref<1x1x57x512xf32, #tpu.memory_space<vmem>>, vector<1x1x57x512xf32>
    %get3A_27 = vector.shape_cast %get3A_26 : vector<1x1x57x512xf32> to vector<57x512xf32>
    %slice3A_28 = vector.extract_strided_slice %get3A_27 {offsets = [0, 0], sizes = [56, 512], strides = [1, 1]} : vector<57x512xf32> to vector<56x512xf32>
    %slice3A_29 = vector.extract_strided_slice %get3A_27 {offsets = [1, 0], sizes = [56, 512], strides = [1, 1]} : vector<57x512xf32> to vector<56x512xf32>
    %get3A_30 = arith.constant 0 : index
    %get3A_31 = arith.constant 0 : index
    %get3A_32 = arith.constant 0 : index
    %get3A_33 = arith.constant 0 : index
    %get3A_34 = vector.load %arg4[%get3A_30, %get3A_31, %get3A_32, %get3A_33] : memref<1x1x57x512xf32, #tpu.memory_space<vmem>>, vector<1x1x57x512xf32>
    %get3A_35 = vector.shape_cast %get3A_34 : vector<1x1x57x512xf32> to vector<57x512xf32>
    %slice3A_36 = vector.extract_strided_slice %get3A_35 {offsets = [0, 0], sizes = [56, 512], strides = [1, 1]} : vector<57x512xf32> to vector<56x512xf32>
    %slice3A_37 = vector.extract_strided_slice %get3A_35 {offsets = [1, 0], sizes = [56, 512], strides = [1, 1]} : vector<57x512xf32> to vector<56x512xf32>
    %get3A_38 = arith.constant 0 : index
    %get3A_39 = arith.constant 0 : index
    %get3A_40 = arith.constant 0 : index
    %get3A_41 = arith.constant 0 : index
    %get3A_42 = vector.load %arg5[%get3A_38, %get3A_39, %get3A_40, %get3A_41] : memref<1x1x57x512xf32, #tpu.memory_space<vmem>>, vector<1x1x57x512xf32>
    %get3A_43 = vector.shape_cast %get3A_42 : vector<1x1x57x512xf32> to vector<57x512xf32>
    %slice3A_44 = vector.extract_strided_slice %get3A_43 {offsets = [0, 0], sizes = [56, 512], strides = [1, 1]} : vector<57x512xf32> to vector<56x512xf32>
    %slice3A_45 = vector.extract_strided_slice %get3A_43 {offsets = [1, 0], sizes = [56, 512], strides = [1, 1]} : vector<57x512xf32> to vector<56x512xf32>
    %get3A_46 = arith.constant 0 : index
    %get3A_47 = arith.constant 0 : index
    %get3A_48 = arith.constant 0 : index
    %get3A_49 = arith.constant 0 : index
    %get3A_50 = vector.load %arg5[%get3A_46, %get3A_47, %get3A_48, %get3A_49] : memref<1x1x57x512xf32, #tpu.memory_space<vmem>>, vector<1x1x57x512xf32>
    %get3A_51 = vector.shape_cast %get3A_50 : vector<1x1x57x512xf32> to vector<57x512xf32>
    %slice3A_52 = vector.extract_strided_slice %get3A_51 {offsets = [0, 0], sizes = [56, 512], strides = [1, 1]} : vector<57x512xf32> to vector<56x512xf32>
    %slice3A_53 = vector.extract_strided_slice %get3A_51 {offsets = [1, 0], sizes = [56, 512], strides = [1, 1]} : vector<57x512xf32> to vector<56x512xf32>
    %get3A_54 = arith.constant 0 : index
    %get3A_55 = arith.constant 0 : index
    %get3A_56 = arith.constant 0 : index
    %get3A_57 = arith.constant 0 : index
    %get3A_58 = vector.load %arg6[%get3A_54, %get3A_55, %get3A_56, %get3A_57] : memref<1x1x57x512xf32, #tpu.memory_space<vmem>>, vector<1x1x57x512xf32>
    %get3A_59 = vector.shape_cast %get3A_58 : vector<1x1x57x512xf32> to vector<57x512xf32>
    %slice3A_60 = vector.extract_strided_slice %get3A_59 {offsets = [0, 0], sizes = [56, 512], strides = [1, 1]} : vector<57x512xf32> to vector<56x512xf32>
    %slice3A_61 = vector.extract_strided_slice %get3A_59 {offsets = [1, 0], sizes = [56, 512], strides = [1, 1]} : vector<57x512xf32> to vector<56x512xf32>
    %concatenate3A = tpu.concatenate %slice3A, %slice3A_5, %slice3A_12, %slice3A_13 in 1 : vector<56x512xf32>, vector<56x512xf32>, vector<56x512xf32>, vector<56x512xf32> -> vector<56x2048xf32>
    %concatenate3A_62 = tpu.concatenate %slice3A_20, %slice3A_21, %slice3A_28, %slice3A_29 in 1 : vector<56x512xf32>, vector<56x512xf32>, vector<56x512xf32>, vector<56x512xf32> -> vector<56x2048xf32>
    %concatenate3A_63 = tpu.concatenate %slice3A_36, %slice3A_37, %slice3A_44, %slice3A_45 in 1 : vector<56x512xf32>, vector<56x512xf32>, vector<56x512xf32>, vector<56x512xf32> -> vector<56x2048xf32>
    %concatenate3A_64 = tpu.concatenate %slice3A_52, %slice3A_53, %slice3A_60, %slice3A_61 in 1 : vector<56x512xf32>, vector<56x512xf32>, vector<56x512xf32>, vector<56x512xf32> -> vector<56x2048xf32>
    %concatenate3A_65 = tpu.concatenate %concatenate3A, %concatenate3A_62, %concatenate3A_63, %concatenate3A_64 in 0 : vector<56x2048xf32>, vector<56x2048xf32>, vector<56x2048xf32>, vector<56x2048xf32> -> vector<224x2048xf32>
    %get3A_66 = arith.constant 0 : index
    %get3A_67 = arith.constant 0 : index
    %get3A_68 = vector.load %arg7[%get3A_66, %get3A_67] : memref<2048x256xf32, #tpu.memory_space<vmem>>, vector<2048x256xf32>
    %dot_general3A = arith.constant dense<0.000000e+00> : vector<224x256xf32>
    %dot_general3A_69 = tpu.matmul %concatenate3A_65, %get3A_68, %dot_general3A {dimension_numbers = #tpu.dot_dimension_numbers<[1], [0], [0], [1], [0, 0, 1, 1], [], []>, transpose_lhs_hint = false} : vector<224x2048xf32>, vector<2048x256xf32>, vector<224x256xf32> -> vector<224x256xf32>
    %get3A_70 = arith.constant 0 : index
    %get3A_71 = arith.constant 0 : index
    %get3A_72 = vector.load %arg8[%get3A_70, %get3A_71] : memref<1x256xf32, #tpu.memory_space<vmem>>, vector<1x256xf32>
    %add3A = vector.broadcast %get3A_72 : vector<1x256xf32> to vector<224x256xf32>
    %add3A_73 = arith.addf %dot_general3A_69, %add3A : vector<224x256xf32>
    %ge3A = arith.constant 0.000000e+00 : f32
    %ge3A_74 = vector.broadcast %ge3A : f32 to vector<224x256xf32>
    %ge3A_75 = arith.cmpf oge, %add3A_73, %ge3A_74 : vector<224x256xf32>
    %mul3A = arith.constant 0.00999999977 : f32
    %mul3A_76 = vector.broadcast %mul3A : f32 to vector<224x256xf32>
    %mul3A_77 = arith.mulf %mul3A_76, %add3A_73 : vector<224x256xf32>
    %select_n3A = arith.select %ge3A_75, %add3A_73, %mul3A_77 : vector<224x256xi1>, vector<224x256xf32>
    %reshape3A = vector.shape_cast %select_n3A : vector<224x256xf32> to vector<4x56x256xf32>
    %swap3A = arith.constant 0 : index
    %swap3A_78 = arith.constant 0 : index
    %swap3A_79 = arith.constant 0 : index
    %swap3A_80 = arith.constant 0 : index
    %swap3A_81 = vector.load %arg9[%swap3A, %swap3A_78, %swap3A_79, %swap3A_80] : memref<1x4x56x256xf32, #tpu.memory_space<vmem>>, vector<1x4x56x256xf32>
    %swap3A_82 = vector.shape_cast %swap3A_81 : vector<1x4x56x256xf32> to vector<4x56x256xf32>
    %swap3A_83 = vector.shape_cast %reshape3A : vector<4x56x256xf32> to vector<1x4x56x256xf32>
    tpu.vector_store %arg9[%swap3A, %swap3A_78, %swap3A_79, %swap3A_80], %swap3A_83 {strides = array<i32>} : memref<1x4x56x256xf32, #tpu.memory_space<vmem>>, vector<1x4x56x256xf32>,
    return
  }
  func.func @transform_0(%arg0: i32, %arg1: i32) -> (i32, i32, i32, i32) {
    %mul3A = arith.constant 4 : i32
    %mul3A_0 = arith.muli %mul3A, %arg1 : i32
    %add3A = arith.constant 0 : i32
    %add3A_1 = arith.addi %mul3A_0, %add3A : i32
    %c0_i32 = arith.constant 0 : i32
    %c0_i32_2 = arith.constant 0 : i32
    %c0_i32_3 = arith.constant 0 : i32
    return %arg0, %add3A_1, %c0_i32, %c0_i32_2 : i32, i32, i32, i32
  }
  func.func @transform_1(%arg0: i32, %arg1: i32) -> (i32, i32, i32, i32) {
    %mul3A = arith.constant 4 : i32
    %mul3A_0 = arith.muli %mul3A, %arg1 : i32
    %add3A = arith.constant 1 : i32
    %add3A_1 = arith.addi %mul3A_0, %add3A : i32
    %c0_i32 = arith.constant 0 : i32
    %c0_i32_2 = arith.constant 0 : i32
    %c0_i32_3 = arith.constant 0 : i32
    return %arg0, %add3A_1, %c0_i32, %c0_i32_2 : i32, i32, i32, i32
  }
  func.func @transform_2(%arg0: i32, %arg1: i32) -> (i32, i32, i32, i32) {
    %mul3A = arith.constant 4 : i32
    %mul3A_0 = arith.muli %mul3A, %arg1 : i32
    %add3A = arith.constant 2 : i32
    %add3A_1 = arith.addi %mul3A_0, %add3A : i32
    %c0_i32 = arith.constant 0 : i32
    %c0_i32_2 = arith.constant 0 : i32
    %c0_i32_3 = arith.constant 0 : i32
    return %arg0, %add3A_1, %c0_i32, %c0_i32_2 : i32, i32, i32, i32
  }
  func.func @transform_3(%arg0: i32, %arg1: i32) -> (i32, i32, i32, i32) {
    %mul3A = arith.constant 4 : i32
    %mul3A_0 = arith.muli %mul3A, %arg1 : i32
    %add3A = arith.constant 3 : i32
    %add3A_1 = arith.addi %mul3A_0, %add3A : i32
    %c0_i32 = arith.constant 0 : i32
    %c0_i32_2 = arith.constant 0 : i32
    %c0_i32_3 = arith.constant 0 : i32
    return %arg0, %add3A_1, %c0_i32, %c0_i32_2 : i32, i32, i32, i32
  }
  func.func @transform_4(%arg0: i32, %arg1: i32) -> (i32, i32, i32, i32) {
    %mul3A = arith.constant 4 : i32
    %mul3A_0 = arith.muli %mul3A, %arg1 : i32
    %add3A = arith.constant 4 : i32
    %add3A_1 = arith.addi %mul3A_0, %add3A : i32
    %c0_i32 = arith.constant 0 : i32
    %c0_i32_2 = arith.constant 0 : i32
    %c0_i32_3 = arith.constant 0 : i32
    return %arg0, %add3A_1, %c0_i32, %c0_i32_2 : i32, i32, i32, i32
  }
  func.func @transform_5(%arg0: i32, %arg1: i32) -> (i32, i32) {
    %c0_i32 = arith.constant 0 : i32
    %c0_i32_0 = arith.constant 0 : i32
    %c0_i32_1 = arith.constant 0 : i32
    return %c0_i32, %c0_i32_0 : i32, i32
  }
  func.func @transform_6(%arg0: i32, %arg1: i32) -> (i32, i32) {
    %c0_i32 = arith.constant 0 : i32
    %c0_i32_0 = arith.constant 0 : i32
    %c0_i32_1 = arith.constant 0 : i32
    return %c0_i32, %c0_i32_0 : i32, i32
  }
  func.func @transform_7(%arg0: i32, %arg1: i32) -> (i32, i32, i32, i32) {
    %c0_i32 = arith.constant 0 : i32
    %c0_i32_0 = arith.constant 0 : i32
    %c0_i32_1 = arith.constant 0 : i32
    return %arg0, %arg1, %c0_i32, %c0_i32_0 : i32, i32, i32, i32
  }
}

module attributes {stable_mosaic.version = 14 : i64} {
  func.func @_mm_kernel(%arg0: i32, %arg1: memref<3584x256xf32, #tpu.memory_space<vmem>>, %arg2: memref<256x64xf32, #tpu.memory_space<vmem>>, %arg3: memref<1x64xf32, #tpu.memory_space<vmem>>, %arg4: memref<3584x64xf32, #tpu.memory_space<vmem>>) attributes {dimension_semantics = [#tpu.dimension_semantics<arbitrary>], iteration_bounds = array<i64: 7>, scalar_prefetch = 0 : i64, scratch_operands = 0 : i64, tpu.core_type = #tpu.core_type<tc>, window_params = [{transform_indices = @transform_0, window_bounds = array<i64: 3584, 256>}, {pipeline_mode = #tpu.pipeline_mode<synchronous>, transform_indices = @transform_1, window_bounds = array<i64: 256, 64>}, {pipeline_mode = #tpu.pipeline_mode<synchronous>, transform_indices = @transform_2, window_bounds = array<i64: 1, 64>}, {transform_indices = @transform_3, window_bounds = array<i64: 3584, 64>}]} {
    %get3A = arith.constant 0 : index
    %get3A_0 = arith.constant 0 : index
    %get3A_1 = vector.load %arg1[%get3A, %get3A_0] : memref<3584x256xf32, #tpu.memory_space<vmem>>, vector<3584x256xf32>
    %get3A_2 = arith.constant 0 : index
    %get3A_3 = arith.constant 0 : index
    %get3A_4 = vector.load %arg2[%get3A_2, %get3A_3] : memref<256x64xf32, #tpu.memory_space<vmem>>, vector<256x64xf32>
    %dot_general3A = arith.constant dense<0.000000e+00> : vector<3584x64xf32>
    %dot_general3A_5 = tpu.matmul %get3A_1, %get3A_4, %dot_general3A {dimension_numbers = #tpu.dot_dimension_numbers<[1], [0], [0], [1], [0, 0, 1, 1], [], []>, transpose_lhs_hint = false} : vector<3584x256xf32>, vector<256x64xf32>, vector<3584x64xf32> -> vector<3584x64xf32>
    %get3A_6 = arith.constant 0 : index
    %get3A_7 = arith.constant 0 : index
    %get3A_8 = vector.load %arg3[%get3A_6, %get3A_7] : memref<1x64xf32, #tpu.memory_space<vmem>>, vector<1x64xf32>
    %add3A = vector.broadcast %get3A_8 : vector<1x64xf32> to vector<3584x64xf32>
    %add3A_9 = arith.addf %dot_general3A_5, %add3A : vector<3584x64xf32>
    %swap3A = arith.constant 0 : index
    %swap3A_10 = arith.constant 0 : index
    %swap3A_11 = vector.load %arg4[%swap3A, %swap3A_10] : memref<3584x64xf32, #tpu.memory_space<vmem>>, vector<3584x64xf32>
    tpu.vector_store %arg4[%swap3A, %swap3A_10], %add3A_9 {strides = array<i32>} : memref<3584x64xf32, #tpu.memory_space<vmem>>, vector<3584x64xf32>,
    return
  }
  func.func @transform_0(%arg0: i32) -> (i32, i32) {
    %c0_i32 = arith.constant 0 : i32
    %c0_i32_0 = arith.constant 0 : i32
    return %arg0, %c0_i32 : i32, i32
  }
  func.func @transform_1(%arg0: i32) -> (i32, i32) {
    %c0_i32 = arith.constant 0 : i32
    %c0_i32_0 = arith.constant 0 : i32
    %c0_i32_1 = arith.constant 0 : i32
    return %c0_i32, %c0_i32_0 : i32, i32
  }
  func.func @transform_2(%arg0: i32) -> (i32, i32) {
    %c0_i32 = arith.constant 0 : i32
    %c0_i32_0 = arith.constant 0 : i32
    %c0_i32_1 = arith.constant 0 : i32
    return %c0_i32, %c0_i32_0 : i32, i32
  }
  func.func @transform_3(%arg0: i32) -> (i32, i32) {
    %c0_i32 = arith.constant 0 : i32
    %c0_i32_0 = arith.constant 0 : i32
    return %arg0, %c0_i32 : i32, i32
  }
}

module attributes {stable_mosaic.version = 14 : i64} {
  func.func @_vq_kernel(%arg0: i32, %arg1: memref<512x64xf32, #tpu.memory_space<vmem>>, %arg2: memref<512x64xf32, #tpu.memory_space<vmem>>, %arg3: memref<512x64xf32, #tpu.memory_space<vmem>>, %arg4: memref<1x128xf32, #tpu.memory_space<vmem>>) attributes {dimension_semantics = [#tpu.dimension_semantics<arbitrary>], iteration_bounds = array<i64: 49>, scalar_prefetch = 0 : i64, scratch_operands = 0 : i64, tpu.core_type = #tpu.core_type<tc>, window_params = [{transform_indices = @transform_0, window_bounds = array<i64: 512, 64>}, {pipeline_mode = #tpu.pipeline_mode<synchronous>, transform_indices = @transform_1, window_bounds = array<i64: 512, 64>}, {transform_indices = @transform_2, window_bounds = array<i64: 512, 64>}, {pipeline_mode = #tpu.pipeline_mode<synchronous>, transform_indices = @transform_3, window_bounds = array<i64: 1, 128>}]} {
    %get3A = arith.constant 0 : index
    %get3A_0 = arith.constant 0 : index
    %get3A_1 = vector.load %arg1[%get3A, %get3A_0] : memref<512x64xf32, #tpu.memory_space<vmem>>, vector<512x64xf32>
    %get3A_2 = arith.constant 0 : index
    %get3A_3 = arith.constant 0 : index
    %get3A_4 = vector.load %arg2[%get3A_2, %get3A_3] : memref<512x64xf32, #tpu.memory_space<vmem>>, vector<512x64xf32>
    %integer_pow3A = arith.mulf %get3A_1, %get3A_1 : vector<512x64xf32>
    %reduce_sum3A = arith.constant dense<0.000000e+00> : vector<512xf32>
    %reduce_sum3A_5 = vector.multi_reduction <add>, %integer_pow3A, %reduce_sum3A [1] : vector<512x64xf32> to vector<512xf32>
    %broadcast_in_dim3A = vector.shape_cast %reduce_sum3A_5 : vector<512xf32> to vector<512x1xf32>
    %integer_pow3A_6 = arith.mulf %get3A_4, %get3A_4 : vector<512x64xf32>
    %reduce_sum3A_7 = arith.constant dense<0.000000e+00> : vector<512xf32>
    %reduce_sum3A_8 = vector.multi_reduction <add>, %integer_pow3A_6, %reduce_sum3A_7 [1] : vector<512x64xf32> to vector<512xf32>
    %broadcast_in_dim3A_9 = vector.shape_cast %reduce_sum3A_8 : vector<512xf32> to vector<1x512xf32>
    %add3A = vector.broadcast %broadcast_in_dim3A : vector<512x1xf32> to vector<512x512xf32>
    %add3A_10 = vector.broadcast %broadcast_in_dim3A_9 : vector<1x512xf32> to vector<512x512xf32>
    %add3A_11 = arith.addf %add3A, %add3A_10 : vector<512x512xf32>
    %transpose3A = tpu.transpose %get3A_4, [1, 0] : vector<512x64xf32> -> vector<64x512xf32>
    %dot_general3A = arith.constant dense<0.000000e+00> : vector<512x512xf32>
    %dot_general3A_12 = tpu.matmul %get3A_1, %transpose3A, %dot_general3A {dimension_numbers = #tpu.dot_dimension_numbers<[1], [0], [0], [1], [0, 0, 1, 1], [], []>, transpose_lhs_hint = false} : vector<512x64xf32>, vector<64x512xf32>, vector<512x512xf32> -> vector<512x512xf32>
    %mul3A = arith.constant 2.000000e+00 : f32
    %mul3A_13 = vector.broadcast %mul3A : f32 to vector<512x512xf32>
    %mul3A_14 = arith.mulf %mul3A_13, %dot_general3A_12 : vector<512x512xf32>
    %sub3A = arith.subf %add3A_11, %mul3A_14 : vector<512x512xf32>
    %reduce_min3A = arith.constant dense<0x7F800000> : vector<512xf32>
    %reduce_min3A_15 = vector.multi_reduction <minimumf>, %sub3A, %reduce_min3A [1] : vector<512x512xf32> to vector<512xf32>
    %iota3A = tpu.iota {dimensions = array<i32: 1>} : vector<512x512xi32>
    %broadcast_in_dim3A_16 = vector.shape_cast %reduce_min3A_15 : vector<512xf32> to vector<512x1xf32>
    %eq3A = vector.broadcast %broadcast_in_dim3A_16 : vector<512x1xf32> to vector<512x512xf32>
    %eq3A_17 = arith.cmpf oeq, %sub3A, %eq3A : vector<512x512xf32>
    %jit3A = arith.constant 512 : i32
    %broadcast_in_dim3A_18 = vector.broadcast %jit3A : i32 to vector<512x512xi32>
    %select_n3A = arith.select %eq3A_17, %iota3A, %broadcast_in_dim3A_18 : vector<512x512xi1>, vector<512x512xi32>
    %reduce_min3A_19 = arith.constant dense<2147483647> : vector<512xi32>
    %reduce_min3A_20 = vector.multi_reduction <minsi>, %select_n3A, %reduce_min3A_19 [1] : vector<512x512xi32> to vector<512xi32>
    %broadcast_in_dim3A_21 = vector.shape_cast %reduce_min3A_20 : vector<512xi32> to vector<512x1xi32>
    %eq3A_22 = vector.broadcast %broadcast_in_dim3A_21 : vector<512x1xi32> to vector<512x512xi32>
    %eq3A_23 = arith.cmpi eq, %iota3A, %eq3A_22 : vector<512x512xi32>
    %convert_element_type3A = arith.extui %eq3A_23 : vector<512x512xi1> to vector<512x512xi32>
    %convert_element_type3A_24 = arith.sitofp %convert_element_type3A : vector<512x512xi32> to vector<512x512xf32>
    %dot_general3A_25 = arith.constant dense<0.000000e+00> : vector<512x64xf32>
    %dot_general3A_26 = tpu.matmul %convert_element_type3A_24, %get3A_4, %dot_general3A_25 {dimension_numbers = #tpu.dot_dimension_numbers<[1], [0], [0], [1], [0, 0, 1, 1], [], []>, transpose_lhs_hint = false} : vector<512x512xf32>, vector<512x64xf32>, vector<512x64xf32> -> vector<512x64xf32>
    %swap3A = arith.constant 0 : index
    %swap3A_27 = arith.constant 0 : index
    %swap3A_28 = vector.load %arg3[%swap3A, %swap3A_27] : memref<512x64xf32, #tpu.memory_space<vmem>>, vector<512x64xf32>
    tpu.vector_store %arg3[%swap3A, %swap3A_27], %dot_general3A_26 {strides = array<i32>} : memref<512x64xf32, #tpu.memory_space<vmem>>, vector<512x64xf32>,
    %sub3A_29 = arith.subf %dot_general3A_26, %get3A_1 : vector<512x64xf32>
    %mul3A_30 = arith.mulf %sub3A_29, %sub3A_29 : vector<512x64xf32>
    %reduce_sum3A_31 = vector.shape_cast %mul3A_30 : vector<512x64xf32> to vector<1x512x64xf32>
    %reduce_sum3A_32 = arith.constant dense<0.000000e+00> : vector<1xf32>
    %reduce_sum3A_33 = vector.multi_reduction <add>, %reduce_sum3A_31, %reduce_sum3A_32 [1, 2] : vector<1x512x64xf32> to vector<1xf32>
    %reduce_sum3A_34 = vector.shape_cast %reduce_sum3A_33 : vector<1xf32> to vector<1x1x1xf32>
    %reduce_sum3A_35 = vector.extract %reduce_sum3A_34[0, 0, 0] : f32 from vector<1x1x1xf32>
    %eq3A_36 = arith.constant 0 : i32
    %eq3A_37 = arith.cmpi eq, %arg0, %eq3A_36 : i32
    %convert_element_type3A_38 = arith.extui %eq3A_37 : i1 to i32
    %cond3A = arith.constant 0 : i32
    %cond3A_39 = arith.cmpi ne, %convert_element_type3A_38, %cond3A : i32
    scf.if %cond3A_39 {
      %broadcast_in_dim3A_48 = arith.constant 0.000000e+00 : f32
      %broadcast_in_dim3A_49 = vector.broadcast %broadcast_in_dim3A_48 : f32 to vector<1x128xf32>
      %swap3A_50 = arith.constant 0 : index
      %swap3A_51 = arith.constant 0 : index
      %swap3A_52 = vector.load %arg4[%swap3A_50, %swap3A_51] : memref<1x128xf32, #tpu.memory_space<vmem>>, vector<1x128xf32>
      tpu.vector_store %arg4[%swap3A_50, %swap3A_51], %broadcast_in_dim3A_49 {strides = array<i32>} : memref<1x128xf32, #tpu.memory_space<vmem>>, vector<1x128xf32>,
    } else {
    }
    %get3A_40 = arith.constant 0 : index
    %get3A_41 = arith.constant 0 : index
    %get3A_42 = vector.load %arg4[%get3A_40, %get3A_41] : memref<1x128xf32, #tpu.memory_space<vmem>>, vector<1x128xf32>
    %add3A_43 = vector.broadcast %reduce_sum3A_35 : f32 to vector<1x128xf32>
    %add3A_44 = arith.addf %get3A_42, %add3A_43 : vector<1x128xf32>
    %swap3A_45 = arith.constant 0 : index
    %swap3A_46 = arith.constant 0 : index
    %swap3A_47 = vector.load %arg4[%swap3A_45, %swap3A_46] : memref<1x128xf32, #tpu.memory_space<vmem>>, vector<1x128xf32>
    tpu.vector_store %arg4[%swap3A_45, %swap3A_46], %add3A_44 {strides = array<i32>} : memref<1x128xf32, #tpu.memory_space<vmem>>, vector<1x128xf32>,
    return
  }
  func.func @transform_0(%arg0: i32) -> (i32, i32) {
    %c0_i32 = arith.constant 0 : i32
    %c0_i32_0 = arith.constant 0 : i32
    return %arg0, %c0_i32 : i32, i32
  }
  func.func @transform_1(%arg0: i32) -> (i32, i32) {
    %c0_i32 = arith.constant 0 : i32
    %c0_i32_0 = arith.constant 0 : i32
    %c0_i32_1 = arith.constant 0 : i32
    return %c0_i32, %c0_i32_0 : i32, i32
  }
  func.func @transform_2(%arg0: i32) -> (i32, i32) {
    %c0_i32 = arith.constant 0 : i32
    %c0_i32_0 = arith.constant 0 : i32
    return %arg0, %c0_i32 : i32, i32
  }
  func.func @transform_3(%arg0: i32) -> (i32, i32) {
    %c0_i32 = arith.constant 0 : i32
    %c0_i32_0 = arith.constant 0 : i32
    %c0_i32_1 = arith.constant 0 : i32
    return %c0_i32, %c0_i32_0 : i32, i32
  }
}

module attributes {stable_mosaic.version = 14 : i64} {
  func.func @_ct1_kernel(%arg0: i32, %arg1: i32, %arg2: memref<1x1x58x64xf32, #tpu.memory_space<vmem>>, %arg3: memref<1x1x58x64xf32, #tpu.memory_space<vmem>>, %arg4: memref<1x1x58x64xf32, #tpu.memory_space<vmem>>, %arg5: memref<576x1024xf32, #tpu.memory_space<vmem>>, %arg6: memref<1x1024xf32, #tpu.memory_space<vmem>>, %arg7: memref<1x2x116x256xf32, #tpu.memory_space<vmem>>) attributes {dimension_semantics = [#tpu.dimension_semantics<arbitrary>, #tpu.dimension_semantics<arbitrary>], iteration_bounds = array<i64: 8, 58>, scalar_prefetch = 0 : i64, scratch_operands = 0 : i64, tpu.core_type = #tpu.core_type<tc>, window_params = [{transform_indices = @transform_0, window_bounds = array<i64: 1, 1, 58, 64>}, {transform_indices = @transform_1, window_bounds = array<i64: 1, 1, 58, 64>}, {transform_indices = @transform_2, window_bounds = array<i64: 1, 1, 58, 64>}, {pipeline_mode = #tpu.pipeline_mode<synchronous>, transform_indices = @transform_3, window_bounds = array<i64: 576, 1024>}, {pipeline_mode = #tpu.pipeline_mode<synchronous>, transform_indices = @transform_4, window_bounds = array<i64: 1, 1024>}, {transform_indices = @transform_5, window_bounds = array<i64: 1, 2, 116, 256>}]} {
    %eq3A = arith.constant 0 : i32
    %eq3A_0 = arith.cmpi eq, %arg1, %eq3A : i32
    %eq3A_1 = arith.constant 57 : i32
    %eq3A_2 = arith.cmpi eq, %arg1, %eq3A_1 : i32
    %or3A = arith.ori %eq3A_0, %eq3A_2 : i1
    %convert_element_type3A = arith.extui %or3A : i1 to i32
    %cond3A = arith.constant 0 : i32
    %cond3A_3 = arith.cmpi ne, %convert_element_type3A, %cond3A : i32
    scf.if %cond3A_3 {
      %broadcast_in_dim3A = arith.constant 0.000000e+00 : f32
      %broadcast_in_dim3A_9 = vector.broadcast %broadcast_in_dim3A : f32 to vector<1x2x116x256xf32>
      %squeeze3A = vector.shape_cast %broadcast_in_dim3A_9 : vector<1x2x116x256xf32> to vector<2x116x256xf32>
      %swap3A = arith.constant 0 : index
      %swap3A_10 = arith.constant 0 : index
      %swap3A_11 = arith.constant 0 : index
      %swap3A_12 = arith.constant 0 : index
      %swap3A_13 = vector.load %arg7[%swap3A, %swap3A_10, %swap3A_11, %swap3A_12] : memref<1x2x116x256xf32, #tpu.memory_space<vmem>>, vector<1x2x116x256xf32>
      %swap3A_14 = vector.shape_cast %swap3A_13 : vector<1x2x116x256xf32> to vector<2x116x256xf32>
      %swap3A_15 = vector.shape_cast %squeeze3A : vector<2x116x256xf32> to vector<1x2x116x256xf32>
      tpu.vector_store %arg7[%swap3A, %swap3A_10, %swap3A_11, %swap3A_12], %swap3A_15 {strides = array<i32>} : memref<1x2x116x256xf32, #tpu.memory_space<vmem>>, vector<1x2x116x256xf32>,
    } else {
    }
    %gt3A = arith.constant 0 : i32
    %gt3A_4 = arith.cmpi sgt, %arg1, %gt3A : i32
    %lt3A = arith.constant 57 : i32
    %lt3A_5 = arith.cmpi slt, %arg1, %lt3A : i32
    %and3A = arith.andi %gt3A_4, %lt3A_5 : i1
    %convert_element_type3A_6 = arith.extui %and3A : i1 to i32
    %cond3A_7 = arith.constant 0 : i32
    %cond3A_8 = arith.cmpi ne, %convert_element_type3A_6, %cond3A_7 : i32
    scf.if %cond3A_8 {
      %get3A = arith.constant 0 : index
      %get3A_9 = arith.constant 0 : index
      %get3A_10 = arith.constant 0 : index
      %get3A_11 = arith.constant 0 : index
      %get3A_12 = vector.load %arg2[%get3A, %get3A_9, %get3A_10, %get3A_11] : memref<1x1x58x64xf32, #tpu.memory_space<vmem>>, vector<1x1x58x64xf32>
      %get3A_13 = vector.shape_cast %get3A_12 : vector<1x1x58x64xf32> to vector<58x64xf32>
      %slice3A = vector.extract_strided_slice %get3A_13 {offsets = [0, 0], sizes = [56, 64], strides = [1, 1]} : vector<58x64xf32> to vector<56x64xf32>
      %slice3A_14 = vector.extract_strided_slice %get3A_13 {offsets = [1, 0], sizes = [56, 64], strides = [1, 1]} : vector<58x64xf32> to vector<56x64xf32>
      %slice3A_15 = vector.extract_strided_slice %get3A_13 {offsets = [2, 0], sizes = [56, 64], strides = [1, 1]} : vector<58x64xf32> to vector<56x64xf32>
      %get3A_16 = arith.constant 0 : index
      %get3A_17 = arith.constant 0 : index
      %get3A_18 = arith.constant 0 : index
      %get3A_19 = arith.constant 0 : index
      %get3A_20 = vector.load %arg3[%get3A_16, %get3A_17, %get3A_18, %get3A_19] : memref<1x1x58x64xf32, #tpu.memory_space<vmem>>, vector<1x1x58x64xf32>
      %get3A_21 = vector.shape_cast %get3A_20 : vector<1x1x58x64xf32> to vector<58x64xf32>
      %slice3A_22 = vector.extract_strided_slice %get3A_21 {offsets = [0, 0], sizes = [56, 64], strides = [1, 1]} : vector<58x64xf32> to vector<56x64xf32>
      %slice3A_23 = vector.extract_strided_slice %get3A_21 {offsets = [1, 0], sizes = [56, 64], strides = [1, 1]} : vector<58x64xf32> to vector<56x64xf32>
      %slice3A_24 = vector.extract_strided_slice %get3A_21 {offsets = [2, 0], sizes = [56, 64], strides = [1, 1]} : vector<58x64xf32> to vector<56x64xf32>
      %get3A_25 = arith.constant 0 : index
      %get3A_26 = arith.constant 0 : index
      %get3A_27 = arith.constant 0 : index
      %get3A_28 = arith.constant 0 : index
      %get3A_29 = vector.load %arg4[%get3A_25, %get3A_26, %get3A_27, %get3A_28] : memref<1x1x58x64xf32, #tpu.memory_space<vmem>>, vector<1x1x58x64xf32>
      %get3A_30 = vector.shape_cast %get3A_29 : vector<1x1x58x64xf32> to vector<58x64xf32>
      %slice3A_31 = vector.extract_strided_slice %get3A_30 {offsets = [0, 0], sizes = [56, 64], strides = [1, 1]} : vector<58x64xf32> to vector<56x64xf32>
      %slice3A_32 = vector.extract_strided_slice %get3A_30 {offsets = [1, 0], sizes = [56, 64], strides = [1, 1]} : vector<58x64xf32> to vector<56x64xf32>
      %slice3A_33 = vector.extract_strided_slice %get3A_30 {offsets = [2, 0], sizes = [56, 64], strides = [1, 1]} : vector<58x64xf32> to vector<56x64xf32>
      %concatenate3A = tpu.concatenate %slice3A, %slice3A_14, %slice3A_15, %slice3A_22, %slice3A_23, %slice3A_24, %slice3A_31, %slice3A_32, %slice3A_33 in 1 : vector<56x64xf32>, vector<56x64xf32>, vector<56x64xf32>, vector<56x64xf32>, vector<56x64xf32>, vector<56x64xf32>, vector<56x64xf32>, vector<56x64xf32>, vector<56x64xf32> -> vector<56x576xf32>
      %get3A_34 = arith.constant 0 : index
      %get3A_35 = arith.constant 0 : index
      %get3A_36 = vector.load %arg5[%get3A_34, %get3A_35] : memref<576x1024xf32, #tpu.memory_space<vmem>>, vector<576x1024xf32>
      %dot_general3A = arith.constant dense<0.000000e+00> : vector<56x1024xf32>
      %dot_general3A_37 = tpu.matmul %concatenate3A, %get3A_36, %dot_general3A {dimension_numbers = #tpu.dot_dimension_numbers<[1], [0], [0], [1], [0, 0, 1, 1], [], []>, transpose_lhs_hint = false} : vector<56x576xf32>, vector<576x1024xf32>, vector<56x1024xf32> -> vector<56x1024xf32>
      %get3A_38 = arith.constant 0 : index
      %get3A_39 = arith.constant 0 : index
      %get3A_40 = vector.load %arg6[%get3A_38, %get3A_39] : memref<1x1024xf32, #tpu.memory_space<vmem>>, vector<1x1024xf32>
      %add3A = vector.broadcast %get3A_40 : vector<1x1024xf32> to vector<56x1024xf32>
      %add3A_41 = arith.addf %dot_general3A_37, %add3A : vector<56x1024xf32>
      %ge3A = arith.constant 0.000000e+00 : f32
      %ge3A_42 = vector.broadcast %ge3A : f32 to vector<56x1024xf32>
      %ge3A_43 = arith.cmpf oge, %add3A_41, %ge3A_42 : vector<56x1024xf32>
      %mul3A = arith.constant 0.00999999977 : f32
      %mul3A_44 = vector.broadcast %mul3A : f32 to vector<56x1024xf32>
      %mul3A_45 = arith.mulf %mul3A_44, %add3A_41 : vector<56x1024xf32>
      %select_n3A = arith.select %ge3A_43, %add3A_41, %mul3A_45 : vector<56x1024xi1>, vector<56x1024xf32>
      %slice3A_46 = vector.extract_strided_slice %select_n3A {offsets = [0, 0], sizes = [56, 256], strides = [1, 1]} : vector<56x1024xf32> to vector<56x256xf32>
      %slice3A_47 = vector.extract_strided_slice %select_n3A {offsets = [0, 256], sizes = [56, 256], strides = [1, 1]} : vector<56x1024xf32> to vector<56x256xf32>
      %stack3A = vector.shape_cast %slice3A_46 : vector<56x256xf32> to vector<56x1x256xf32>
      %stack3A_48 = vector.shape_cast %slice3A_47 : vector<56x256xf32> to vector<56x1x256xf32>
      %stack3A_49 = tpu.concatenate %stack3A, %stack3A_48 in 1 : vector<56x1x256xf32>, vector<56x1x256xf32> -> vector<56x2x256xf32>
      %reshape3A = vector.shape_cast %stack3A_49 : vector<56x2x256xf32> to vector<112x256xf32>
      %jit3A = arith.constant 0 : i32
      %convert_element_type3A_50 = arith.sitofp %jit3A : i32 to f32
      %pad3A = vector.broadcast %convert_element_type3A_50 : f32 to vector<2x256xf32>
      %pad3A_51 = tpu.concatenate %pad3A, %reshape3A in 0 : vector<2x256xf32>, vector<112x256xf32> -> vector<114x256xf32>
      %pad3A_52 = vector.broadcast %convert_element_type3A_50 : f32 to vector<2x256xf32>
      %pad3A_53 = tpu.concatenate %pad3A_51, %pad3A_52 in 0 : vector<114x256xf32>, vector<2x256xf32> -> vector<116x256xf32>
      %slice3A_54 = vector.extract_strided_slice %select_n3A {offsets = [0, 512], sizes = [56, 256], strides = [1, 1]} : vector<56x1024xf32> to vector<56x256xf32>
      %slice3A_55 = vector.extract_strided_slice %select_n3A {offsets = [0, 768], sizes = [56, 256], strides = [1, 1]} : vector<56x1024xf32> to vector<56x256xf32>
      %stack3A_56 = vector.shape_cast %slice3A_54 : vector<56x256xf32> to vector<56x1x256xf32>
      %stack3A_57 = vector.shape_cast %slice3A_55 : vector<56x256xf32> to vector<56x1x256xf32>
      %stack3A_58 = tpu.concatenate %stack3A_56, %stack3A_57 in 1 : vector<56x1x256xf32>, vector<56x1x256xf32> -> vector<56x2x256xf32>
      %reshape3A_59 = vector.shape_cast %stack3A_58 : vector<56x2x256xf32> to vector<112x256xf32>
      %jit3A_60 = arith.constant 0 : i32
      %convert_element_type3A_61 = arith.sitofp %jit3A_60 : i32 to f32
      %pad3A_62 = vector.broadcast %convert_element_type3A_61 : f32 to vector<2x256xf32>
      %pad3A_63 = tpu.concatenate %pad3A_62, %reshape3A_59 in 0 : vector<2x256xf32>, vector<112x256xf32> -> vector<114x256xf32>
      %pad3A_64 = vector.broadcast %convert_element_type3A_61 : f32 to vector<2x256xf32>
      %pad3A_65 = tpu.concatenate %pad3A_63, %pad3A_64 in 0 : vector<114x256xf32>, vector<2x256xf32> -> vector<116x256xf32>
      %stack3A_66 = vector.shape_cast %pad3A_53 : vector<116x256xf32> to vector<1x116x256xf32>
      %stack3A_67 = vector.shape_cast %pad3A_65 : vector<116x256xf32> to vector<1x116x256xf32>
      %stack3A_68 = tpu.concatenate %stack3A_66, %stack3A_67 in 0 : vector<1x116x256xf32>, vector<1x116x256xf32> -> vector<2x116x256xf32>
      %swap3A = arith.constant 0 : index
      %swap3A_69 = arith.constant 0 : index
      %swap3A_70 = arith.constant 0 : index
      %swap3A_71 = arith.constant 0 : index
      %swap3A_72 = vector.load %arg7[%swap3A, %swap3A_69, %swap3A_70, %swap3A_71] : memref<1x2x116x256xf32, #tpu.memory_space<vmem>>, vector<1x2x116x256xf32>
      %swap3A_73 = vector.shape_cast %swap3A_72 : vector<1x2x116x256xf32> to vector<2x116x256xf32>
      %swap3A_74 = vector.shape_cast %stack3A_68 : vector<2x116x256xf32> to vector<1x2x116x256xf32>
      tpu.vector_store %arg7[%swap3A, %swap3A_69, %swap3A_70, %swap3A_71], %swap3A_74 {strides = array<i32>} : memref<1x2x116x256xf32, #tpu.memory_space<vmem>>, vector<1x2x116x256xf32>,
    } else {
    }
    return
  }
  func.func @transform_0(%arg0: i32, %arg1: i32) -> (i32, i32, i32, i32) {
    %sub3A = arith.constant 1 : i32
    %sub3A_0 = arith.subi %arg1, %sub3A : i32
    %add3A = arith.constant 0 : i32
    %add3A_1 = arith.addi %sub3A_0, %add3A : i32
    %jit3A = arith.constant 0 : i32
    %jit3A_2 = arith.constant 57 : i32
    %max3A = arith.maxsi %jit3A, %add3A_1 : i32
    %min3A = arith.minsi %jit3A_2, %max3A : i32
    %c0_i32 = arith.constant 0 : i32
    %c0_i32_3 = arith.constant 0 : i32
    %c0_i32_4 = arith.constant 0 : i32
    return %arg0, %min3A, %c0_i32, %c0_i32_3 : i32, i32, i32, i32
  }
  func.func @transform_1(%arg0: i32, %arg1: i32) -> (i32, i32, i32, i32) {
    %sub3A = arith.constant 1 : i32
    %sub3A_0 = arith.subi %arg1, %sub3A : i32
    %add3A = arith.constant 1 : i32
    %add3A_1 = arith.addi %sub3A_0, %add3A : i32
    %jit3A = arith.constant 0 : i32
    %jit3A_2 = arith.constant 57 : i32
    %max3A = arith.maxsi %jit3A, %add3A_1 : i32
    %min3A = arith.minsi %jit3A_2, %max3A : i32
    %c0_i32 = arith.constant 0 : i32
    %c0_i32_3 = arith.constant 0 : i32
    %c0_i32_4 = arith.constant 0 : i32
    return %arg0, %min3A, %c0_i32, %c0_i32_3 : i32, i32, i32, i32
  }
  func.func @transform_2(%arg0: i32, %arg1: i32) -> (i32, i32, i32, i32) {
    %sub3A = arith.constant 1 : i32
    %sub3A_0 = arith.subi %arg1, %sub3A : i32
    %add3A = arith.constant 2 : i32
    %add3A_1 = arith.addi %sub3A_0, %add3A : i32
    %jit3A = arith.constant 0 : i32
    %jit3A_2 = arith.constant 57 : i32
    %max3A = arith.maxsi %jit3A, %add3A_1 : i32
    %min3A = arith.minsi %jit3A_2, %max3A : i32
    %c0_i32 = arith.constant 0 : i32
    %c0_i32_3 = arith.constant 0 : i32
    %c0_i32_4 = arith.constant 0 : i32
    return %arg0, %min3A, %c0_i32, %c0_i32_3 : i32, i32, i32, i32
  }
  func.func @transform_3(%arg0: i32, %arg1: i32) -> (i32, i32) {
    %c0_i32 = arith.constant 0 : i32
    %c0_i32_0 = arith.constant 0 : i32
    %c0_i32_1 = arith.constant 0 : i32
    return %c0_i32, %c0_i32_0 : i32, i32
  }
  func.func @transform_4(%arg0: i32, %arg1: i32) -> (i32, i32) {
    %c0_i32 = arith.constant 0 : i32
    %c0_i32_0 = arith.constant 0 : i32
    %c0_i32_1 = arith.constant 0 : i32
    return %c0_i32, %c0_i32_0 : i32, i32
  }
  func.func @transform_5(%arg0: i32, %arg1: i32) -> (i32, i32, i32, i32) {
    %c0_i32 = arith.constant 0 : i32
    %c0_i32_0 = arith.constant 0 : i32
    %c0_i32_1 = arith.constant 0 : i32
    return %arg0, %arg1, %c0_i32, %c0_i32_0 : i32, i32, i32, i32
  }
}

module attributes {stable_mosaic.version = 14 : i64} {
  func.func @_wconv_kernel(%arg0: i32, %arg1: i32, %arg2: memref<1x1x116x256xf32, #tpu.memory_space<vmem>>, %arg3: memref<1x1x116x256xf32, #tpu.memory_space<vmem>>, %arg4: memref<1x1x116x256xf32, #tpu.memory_space<vmem>>, %arg5: memref<1x1x116x256xf32, #tpu.memory_space<vmem>>, %arg6: memref<1x1x116x256xf32, #tpu.memory_space<vmem>>, %arg7: memref<1x1x116x256xf32, #tpu.memory_space<vmem>>, %arg8: memref<2304x128xf32, #tpu.memory_space<vmem>>, %arg9: memref<1x128xf32, #tpu.memory_space<vmem>>, %arg10: memref<1x4x112x12xf32, #tpu.memory_space<vmem>>) attributes {dimension_semantics = [#tpu.dimension_semantics<arbitrary>, #tpu.dimension_semantics<arbitrary>], iteration_bounds = array<i64: 8, 28>, scalar_prefetch = 0 : i64, scratch_operands = 0 : i64, tpu.core_type = #tpu.core_type<tc>, window_params = [{transform_indices = @transform_0, window_bounds = array<i64: 1, 1, 116, 256>}, {transform_indices = @transform_1, window_bounds = array<i64: 1, 1, 116, 256>}, {transform_indices = @transform_2, window_bounds = array<i64: 1, 1, 116, 256>}, {transform_indices = @transform_3, window_bounds = array<i64: 1, 1, 116, 256>}, {transform_indices = @transform_4, window_bounds = array<i64: 1, 1, 116, 256>}, {transform_indices = @transform_5, window_bounds = array<i64: 1, 1, 116, 256>}, {pipeline_mode = #tpu.pipeline_mode<synchronous>, transform_indices = @transform_6, window_bounds = array<i64: 2304, 128>}, {pipeline_mode = #tpu.pipeline_mode<synchronous>, transform_indices = @transform_7, window_bounds = array<i64: 1, 128>}, {transform_indices = @transform_8, window_bounds = array<i64: 1, 4, 112, 12>}]} {
    %get3A = arith.constant 0 : index
    %get3A_0 = arith.constant 0 : index
    %get3A_1 = arith.constant 0 : index
    %get3A_2 = arith.constant 0 : index
    %get3A_3 = vector.load %arg2[%get3A, %get3A_0, %get3A_1, %get3A_2] : memref<1x1x116x256xf32, #tpu.memory_space<vmem>>, vector<1x1x116x256xf32>
    %get3A_4 = vector.shape_cast %get3A_3 : vector<1x1x116x256xf32> to vector<116x256xf32>
    %slice3A = vector.extract_strided_slice %get3A_4 {offsets = [1, 0], sizes = [112, 256], strides = [1, 1]} : vector<116x256xf32> to vector<112x256xf32>
    %slice3A_5 = vector.extract_strided_slice %get3A_4 {offsets = [2, 0], sizes = [112, 256], strides = [1, 1]} : vector<116x256xf32> to vector<112x256xf32>
    %slice3A_6 = vector.extract_strided_slice %get3A_4 {offsets = [3, 0], sizes = [112, 256], strides = [1, 1]} : vector<116x256xf32> to vector<112x256xf32>
    %get3A_7 = arith.constant 0 : index
    %get3A_8 = arith.constant 0 : index
    %get3A_9 = arith.constant 0 : index
    %get3A_10 = arith.constant 0 : index
    %get3A_11 = vector.load %arg3[%get3A_7, %get3A_8, %get3A_9, %get3A_10] : memref<1x1x116x256xf32, #tpu.memory_space<vmem>>, vector<1x1x116x256xf32>
    %get3A_12 = vector.shape_cast %get3A_11 : vector<1x1x116x256xf32> to vector<116x256xf32>
    %slice3A_13 = vector.extract_strided_slice %get3A_12 {offsets = [1, 0], sizes = [112, 256], strides = [1, 1]} : vector<116x256xf32> to vector<112x256xf32>
    %slice3A_14 = vector.extract_strided_slice %get3A_12 {offsets = [2, 0], sizes = [112, 256], strides = [1, 1]} : vector<116x256xf32> to vector<112x256xf32>
    %slice3A_15 = vector.extract_strided_slice %get3A_12 {offsets = [3, 0], sizes = [112, 256], strides = [1, 1]} : vector<116x256xf32> to vector<112x256xf32>
    %get3A_16 = arith.constant 0 : index
    %get3A_17 = arith.constant 0 : index
    %get3A_18 = arith.constant 0 : index
    %get3A_19 = arith.constant 0 : index
    %get3A_20 = vector.load %arg4[%get3A_16, %get3A_17, %get3A_18, %get3A_19] : memref<1x1x116x256xf32, #tpu.memory_space<vmem>>, vector<1x1x116x256xf32>
    %get3A_21 = vector.shape_cast %get3A_20 : vector<1x1x116x256xf32> to vector<116x256xf32>
    %slice3A_22 = vector.extract_strided_slice %get3A_21 {offsets = [1, 0], sizes = [112, 256], strides = [1, 1]} : vector<116x256xf32> to vector<112x256xf32>
    %slice3A_23 = vector.extract_strided_slice %get3A_21 {offsets = [2, 0], sizes = [112, 256], strides = [1, 1]} : vector<116x256xf32> to vector<112x256xf32>
    %slice3A_24 = vector.extract_strided_slice %get3A_21 {offsets = [3, 0], sizes = [112, 256], strides = [1, 1]} : vector<116x256xf32> to vector<112x256xf32>
    %get3A_25 = arith.constant 0 : index
    %get3A_26 = arith.constant 0 : index
    %get3A_27 = arith.constant 0 : index
    %get3A_28 = arith.constant 0 : index
    %get3A_29 = vector.load %arg3[%get3A_25, %get3A_26, %get3A_27, %get3A_28] : memref<1x1x116x256xf32, #tpu.memory_space<vmem>>, vector<1x1x116x256xf32>
    %get3A_30 = vector.shape_cast %get3A_29 : vector<1x1x116x256xf32> to vector<116x256xf32>
    %slice3A_31 = vector.extract_strided_slice %get3A_30 {offsets = [1, 0], sizes = [112, 256], strides = [1, 1]} : vector<116x256xf32> to vector<112x256xf32>
    %slice3A_32 = vector.extract_strided_slice %get3A_30 {offsets = [2, 0], sizes = [112, 256], strides = [1, 1]} : vector<116x256xf32> to vector<112x256xf32>
    %slice3A_33 = vector.extract_strided_slice %get3A_30 {offsets = [3, 0], sizes = [112, 256], strides = [1, 1]} : vector<116x256xf32> to vector<112x256xf32>
    %get3A_34 = arith.constant 0 : index
    %get3A_35 = arith.constant 0 : index
    %get3A_36 = arith.constant 0 : index
    %get3A_37 = arith.constant 0 : index
    %get3A_38 = vector.load %arg4[%get3A_34, %get3A_35, %get3A_36, %get3A_37] : memref<1x1x116x256xf32, #tpu.memory_space<vmem>>, vector<1x1x116x256xf32>
    %get3A_39 = vector.shape_cast %get3A_38 : vector<1x1x116x256xf32> to vector<116x256xf32>
    %slice3A_40 = vector.extract_strided_slice %get3A_39 {offsets = [1, 0], sizes = [112, 256], strides = [1, 1]} : vector<116x256xf32> to vector<112x256xf32>
    %slice3A_41 = vector.extract_strided_slice %get3A_39 {offsets = [2, 0], sizes = [112, 256], strides = [1, 1]} : vector<116x256xf32> to vector<112x256xf32>
    %slice3A_42 = vector.extract_strided_slice %get3A_39 {offsets = [3, 0], sizes = [112, 256], strides = [1, 1]} : vector<116x256xf32> to vector<112x256xf32>
    %get3A_43 = arith.constant 0 : index
    %get3A_44 = arith.constant 0 : index
    %get3A_45 = arith.constant 0 : index
    %get3A_46 = arith.constant 0 : index
    %get3A_47 = vector.load %arg5[%get3A_43, %get3A_44, %get3A_45, %get3A_46] : memref<1x1x116x256xf32, #tpu.memory_space<vmem>>, vector<1x1x116x256xf32>
    %get3A_48 = vector.shape_cast %get3A_47 : vector<1x1x116x256xf32> to vector<116x256xf32>
    %slice3A_49 = vector.extract_strided_slice %get3A_48 {offsets = [1, 0], sizes = [112, 256], strides = [1, 1]} : vector<116x256xf32> to vector<112x256xf32>
    %slice3A_50 = vector.extract_strided_slice %get3A_48 {offsets = [2, 0], sizes = [112, 256], strides = [1, 1]} : vector<116x256xf32> to vector<112x256xf32>
    %slice3A_51 = vector.extract_strided_slice %get3A_48 {offsets = [3, 0], sizes = [112, 256], strides = [1, 1]} : vector<116x256xf32> to vector<112x256xf32>
    %get3A_52 = arith.constant 0 : index
    %get3A_53 = arith.constant 0 : index
    %get3A_54 = arith.constant 0 : index
    %get3A_55 = arith.constant 0 : index
    %get3A_56 = vector.load %arg4[%get3A_52, %get3A_53, %get3A_54, %get3A_55] : memref<1x1x116x256xf32, #tpu.memory_space<vmem>>, vector<1x1x116x256xf32>
    %get3A_57 = vector.shape_cast %get3A_56 : vector<1x1x116x256xf32> to vector<116x256xf32>
    %slice3A_58 = vector.extract_strided_slice %get3A_57 {offsets = [1, 0], sizes = [112, 256], strides = [1, 1]} : vector<116x256xf32> to vector<112x256xf32>
    %slice3A_59 = vector.extract_strided_slice %get3A_57 {offsets = [2, 0], sizes = [112, 256], strides = [1, 1]} : vector<116x256xf32> to vector<112x256xf32>
    %slice3A_60 = vector.extract_strided_slice %get3A_57 {offsets = [3, 0], sizes = [112, 256], strides = [1, 1]} : vector<116x256xf32> to vector<112x256xf32>
    %get3A_61 = arith.constant 0 : index
    %get3A_62 = arith.constant 0 : index
    %get3A_63 = arith.constant 0 : index
    %get3A_64 = arith.constant 0 : index
    %get3A_65 = vector.load %arg5[%get3A_61, %get3A_62, %get3A_63, %get3A_64] : memref<1x1x116x256xf32, #tpu.memory_space<vmem>>, vector<1x1x116x256xf32>
    %get3A_66 = vector.shape_cast %get3A_65 : vector<1x1x116x256xf32> to vector<116x256xf32>
    %slice3A_67 = vector.extract_strided_slice %get3A_66 {offsets = [1, 0], sizes = [112, 256], strides = [1, 1]} : vector<116x256xf32> to vector<112x256xf32>
    %slice3A_68 = vector.extract_strided_slice %get3A_66 {offsets = [2, 0], sizes = [112, 256], strides = [1, 1]} : vector<116x256xf32> to vector<112x256xf32>
    %slice3A_69 = vector.extract_strided_slice %get3A_66 {offsets = [3, 0], sizes = [112, 256], strides = [1, 1]} : vector<116x256xf32> to vector<112x256xf32>
    %get3A_70 = arith.constant 0 : index
    %get3A_71 = arith.constant 0 : index
    %get3A_72 = arith.constant 0 : index
    %get3A_73 = arith.constant 0 : index
    %get3A_74 = vector.load %arg6[%get3A_70, %get3A_71, %get3A_72, %get3A_73] : memref<1x1x116x256xf32, #tpu.memory_space<vmem>>, vector<1x1x116x256xf32>
    %get3A_75 = vector.shape_cast %get3A_74 : vector<1x1x116x256xf32> to vector<116x256xf32>
    %slice3A_76 = vector.extract_strided_slice %get3A_75 {offsets = [1, 0], sizes = [112, 256], strides = [1, 1]} : vector<116x256xf32> to vector<112x256xf32>
    %slice3A_77 = vector.extract_strided_slice %get3A_75 {offsets = [2, 0], sizes = [112, 256], strides = [1, 1]} : vector<116x256xf32> to vector<112x256xf32>
    %slice3A_78 = vector.extract_strided_slice %get3A_75 {offsets = [3, 0], sizes = [112, 256], strides = [1, 1]} : vector<116x256xf32> to vector<112x256xf32>
    %get3A_79 = arith.constant 0 : index
    %get3A_80 = arith.constant 0 : index
    %get3A_81 = arith.constant 0 : index
    %get3A_82 = arith.constant 0 : index
    %get3A_83 = vector.load %arg5[%get3A_79, %get3A_80, %get3A_81, %get3A_82] : memref<1x1x116x256xf32, #tpu.memory_space<vmem>>, vector<1x1x116x256xf32>
    %get3A_84 = vector.shape_cast %get3A_83 : vector<1x1x116x256xf32> to vector<116x256xf32>
    %slice3A_85 = vector.extract_strided_slice %get3A_84 {offsets = [1, 0], sizes = [112, 256], strides = [1, 1]} : vector<116x256xf32> to vector<112x256xf32>
    %slice3A_86 = vector.extract_strided_slice %get3A_84 {offsets = [2, 0], sizes = [112, 256], strides = [1, 1]} : vector<116x256xf32> to vector<112x256xf32>
    %slice3A_87 = vector.extract_strided_slice %get3A_84 {offsets = [3, 0], sizes = [112, 256], strides = [1, 1]} : vector<116x256xf32> to vector<112x256xf32>
    %get3A_88 = arith.constant 0 : index
    %get3A_89 = arith.constant 0 : index
    %get3A_90 = arith.constant 0 : index
    %get3A_91 = arith.constant 0 : index
    %get3A_92 = vector.load %arg6[%get3A_88, %get3A_89, %get3A_90, %get3A_91] : memref<1x1x116x256xf32, #tpu.memory_space<vmem>>, vector<1x1x116x256xf32>
    %get3A_93 = vector.shape_cast %get3A_92 : vector<1x1x116x256xf32> to vector<116x256xf32>
    %slice3A_94 = vector.extract_strided_slice %get3A_93 {offsets = [1, 0], sizes = [112, 256], strides = [1, 1]} : vector<116x256xf32> to vector<112x256xf32>
    %slice3A_95 = vector.extract_strided_slice %get3A_93 {offsets = [2, 0], sizes = [112, 256], strides = [1, 1]} : vector<116x256xf32> to vector<112x256xf32>
    %slice3A_96 = vector.extract_strided_slice %get3A_93 {offsets = [3, 0], sizes = [112, 256], strides = [1, 1]} : vector<116x256xf32> to vector<112x256xf32>
    %get3A_97 = arith.constant 0 : index
    %get3A_98 = arith.constant 0 : index
    %get3A_99 = arith.constant 0 : index
    %get3A_100 = arith.constant 0 : index
    %get3A_101 = vector.load %arg7[%get3A_97, %get3A_98, %get3A_99, %get3A_100] : memref<1x1x116x256xf32, #tpu.memory_space<vmem>>, vector<1x1x116x256xf32>
    %get3A_102 = vector.shape_cast %get3A_101 : vector<1x1x116x256xf32> to vector<116x256xf32>
    %slice3A_103 = vector.extract_strided_slice %get3A_102 {offsets = [1, 0], sizes = [112, 256], strides = [1, 1]} : vector<116x256xf32> to vector<112x256xf32>
    %slice3A_104 = vector.extract_strided_slice %get3A_102 {offsets = [2, 0], sizes = [112, 256], strides = [1, 1]} : vector<116x256xf32> to vector<112x256xf32>
    %slice3A_105 = vector.extract_strided_slice %get3A_102 {offsets = [3, 0], sizes = [112, 256], strides = [1, 1]} : vector<116x256xf32> to vector<112x256xf32>
    %concatenate3A = tpu.concatenate %slice3A, %slice3A_5, %slice3A_6, %slice3A_13, %slice3A_14, %slice3A_15, %slice3A_22, %slice3A_23, %slice3A_24 in 1 : vector<112x256xf32>, vector<112x256xf32>, vector<112x256xf32>, vector<112x256xf32>, vector<112x256xf32>, vector<112x256xf32>, vector<112x256xf32>, vector<112x256xf32>, vector<112x256xf32> -> vector<112x2304xf32>
    %concatenate3A_106 = tpu.concatenate %slice3A_31, %slice3A_32, %slice3A_33, %slice3A_40, %slice3A_41, %slice3A_42, %slice3A_49, %slice3A_50, %slice3A_51 in 1 : vector<112x256xf32>, vector<112x256xf32>, vector<112x256xf32>, vector<112x256xf32>, vector<112x256xf32>, vector<112x256xf32>, vector<112x256xf32>, vector<112x256xf32>, vector<112x256xf32> -> vector<112x2304xf32>
    %concatenate3A_107 = tpu.concatenate %slice3A_58, %slice3A_59, %slice3A_60, %slice3A_67, %slice3A_68, %slice3A_69, %slice3A_76, %slice3A_77, %slice3A_78 in 1 : vector<112x256xf32>, vector<112x256xf32>, vector<112x256xf32>, vector<112x256xf32>, vector<112x256xf32>, vector<112x256xf32>, vector<112x256xf32>, vector<112x256xf32>, vector<112x256xf32> -> vector<112x2304xf32>
    %concatenate3A_108 = tpu.concatenate %slice3A_85, %slice3A_86, %slice3A_87, %slice3A_94, %slice3A_95, %slice3A_96, %slice3A_103, %slice3A_104, %slice3A_105 in 1 : vector<112x256xf32>, vector<112x256xf32>, vector<112x256xf32>, vector<112x256xf32>, vector<112x256xf32>, vector<112x256xf32>, vector<112x256xf32>, vector<112x256xf32>, vector<112x256xf32> -> vector<112x2304xf32>
    %concatenate3A_109 = tpu.concatenate %concatenate3A, %concatenate3A_106, %concatenate3A_107, %concatenate3A_108 in 0 : vector<112x2304xf32>, vector<112x2304xf32>, vector<112x2304xf32>, vector<112x2304xf32> -> vector<448x2304xf32>
    %get3A_110 = arith.constant 0 : index
    %get3A_111 = arith.constant 0 : index
    %get3A_112 = vector.load %arg8[%get3A_110, %get3A_111] : memref<2304x128xf32, #tpu.memory_space<vmem>>, vector<2304x128xf32>
    %dot_general3A = arith.constant dense<0.000000e+00> : vector<448x128xf32>
    %dot_general3A_113 = tpu.matmul %concatenate3A_109, %get3A_112, %dot_general3A {dimension_numbers = #tpu.dot_dimension_numbers<[1], [0], [0], [1], [0, 0, 1, 1], [], []>, transpose_lhs_hint = false} : vector<448x2304xf32>, vector<2304x128xf32>, vector<448x128xf32> -> vector<448x128xf32>
    %get3A_114 = arith.constant 0 : index
    %get3A_115 = arith.constant 0 : index
    %get3A_116 = vector.load %arg9[%get3A_114, %get3A_115] : memref<1x128xf32, #tpu.memory_space<vmem>>, vector<1x128xf32>
    %add3A = vector.broadcast %get3A_116 : vector<1x128xf32> to vector<448x128xf32>
    %add3A_117 = arith.addf %dot_general3A_113, %add3A : vector<448x128xf32>
    %tanh3A = math.tanh %add3A_117 : vector<448x128xf32>
    %slice3A_118 = vector.extract_strided_slice %tanh3A {offsets = [0, 0], sizes = [448, 12], strides = [1, 1]} : vector<448x128xf32> to vector<448x12xf32>
    %reshape3A = vector.shape_cast %slice3A_118 : vector<448x12xf32> to vector<4x112x12xf32>
    %swap3A = arith.constant 0 : index
    %swap3A_119 = arith.constant 0 : index
    %swap3A_120 = arith.constant 0 : index
    %swap3A_121 = arith.constant 0 : index
    %swap3A_122 = vector.load %arg10[%swap3A, %swap3A_119, %swap3A_120, %swap3A_121] : memref<1x4x112x12xf32, #tpu.memory_space<vmem>>, vector<1x4x112x12xf32>
    %swap3A_123 = vector.shape_cast %swap3A_122 : vector<1x4x112x12xf32> to vector<4x112x12xf32>
    %swap3A_124 = vector.shape_cast %reshape3A : vector<4x112x12xf32> to vector<1x4x112x12xf32>
    tpu.vector_store %arg10[%swap3A, %swap3A_119, %swap3A_120, %swap3A_121], %swap3A_124 {strides = array<i32>} : memref<1x4x112x12xf32, #tpu.memory_space<vmem>>, vector<1x4x112x12xf32>,
    return
  }
  func.func @transform_0(%arg0: i32, %arg1: i32) -> (i32, i32, i32, i32) {
    %mul3A = arith.constant 4 : i32
    %mul3A_0 = arith.muli %mul3A, %arg1 : i32
    %add3A = arith.constant 1 : i32
    %add3A_1 = arith.addi %mul3A_0, %add3A : i32
    %c0_i32 = arith.constant 0 : i32
    %c0_i32_2 = arith.constant 0 : i32
    %c0_i32_3 = arith.constant 0 : i32
    return %arg0, %add3A_1, %c0_i32, %c0_i32_2 : i32, i32, i32, i32
  }
  func.func @transform_1(%arg0: i32, %arg1: i32) -> (i32, i32, i32, i32) {
    %mul3A = arith.constant 4 : i32
    %mul3A_0 = arith.muli %mul3A, %arg1 : i32
    %add3A = arith.constant 2 : i32
    %add3A_1 = arith.addi %mul3A_0, %add3A : i32
    %c0_i32 = arith.constant 0 : i32
    %c0_i32_2 = arith.constant 0 : i32
    %c0_i32_3 = arith.constant 0 : i32
    return %arg0, %add3A_1, %c0_i32, %c0_i32_2 : i32, i32, i32, i32
  }
  func.func @transform_2(%arg0: i32, %arg1: i32) -> (i32, i32, i32, i32) {
    %mul3A = arith.constant 4 : i32
    %mul3A_0 = arith.muli %mul3A, %arg1 : i32
    %add3A = arith.constant 3 : i32
    %add3A_1 = arith.addi %mul3A_0, %add3A : i32
    %c0_i32 = arith.constant 0 : i32
    %c0_i32_2 = arith.constant 0 : i32
    %c0_i32_3 = arith.constant 0 : i32
    return %arg0, %add3A_1, %c0_i32, %c0_i32_2 : i32, i32, i32, i32
  }
  func.func @transform_3(%arg0: i32, %arg1: i32) -> (i32, i32, i32, i32) {
    %mul3A = arith.constant 4 : i32
    %mul3A_0 = arith.muli %mul3A, %arg1 : i32
    %add3A = arith.constant 4 : i32
    %add3A_1 = arith.addi %mul3A_0, %add3A : i32
    %c0_i32 = arith.constant 0 : i32
    %c0_i32_2 = arith.constant 0 : i32
    %c0_i32_3 = arith.constant 0 : i32
    return %arg0, %add3A_1, %c0_i32, %c0_i32_2 : i32, i32, i32, i32
  }
  func.func @transform_4(%arg0: i32, %arg1: i32) -> (i32, i32, i32, i32) {
    %mul3A = arith.constant 4 : i32
    %mul3A_0 = arith.muli %mul3A, %arg1 : i32
    %add3A = arith.constant 5 : i32
    %add3A_1 = arith.addi %mul3A_0, %add3A : i32
    %c0_i32 = arith.constant 0 : i32
    %c0_i32_2 = arith.constant 0 : i32
    %c0_i32_3 = arith.constant 0 : i32
    return %arg0, %add3A_1, %c0_i32, %c0_i32_2 : i32, i32, i32, i32
  }
  func.func @transform_5(%arg0: i32, %arg1: i32) -> (i32, i32, i32, i32) {
    %mul3A = arith.constant 4 : i32
    %mul3A_0 = arith.muli %mul3A, %arg1 : i32
    %add3A = arith.constant 6 : i32
    %add3A_1 = arith.addi %mul3A_0, %add3A : i32
    %c0_i32 = arith.constant 0 : i32
    %c0_i32_2 = arith.constant 0 : i32
    %c0_i32_3 = arith.constant 0 : i32
    return %arg0, %add3A_1, %c0_i32, %c0_i32_2 : i32, i32, i32, i32
  }
  func.func @transform_6(%arg0: i32, %arg1: i32) -> (i32, i32) {
    %c0_i32 = arith.constant 0 : i32
    %c0_i32_0 = arith.constant 0 : i32
    %c0_i32_1 = arith.constant 0 : i32
    return %c0_i32, %c0_i32_0 : i32, i32
  }
  func.func @transform_7(%arg0: i32, %arg1: i32) -> (i32, i32) {
    %c0_i32 = arith.constant 0 : i32
    %c0_i32_0 = arith.constant 0 : i32
    %c0_i32_1 = arith.constant 0 : i32
    return %c0_i32, %c0_i32_0 : i32, i32
  }
  func.func @transform_8(%arg0: i32, %arg1: i32) -> (i32, i32, i32, i32) {
    %c0_i32 = arith.constant 0 : i32
    %c0_i32_0 = arith.constant 0 : i32
    %c0_i32_1 = arith.constant 0 : i32
    return %arg0, %arg1, %c0_i32, %c0_i32_0 : i32, i32, i32, i32
  }
}

</mosaic_0001>

<sc_bundles>
// kernel: sparse-core-data-format-call.1.cloned.1.call-start
scs
called_computation.1_lowered:
.L_overlay_start_0:
0x0: {  	s1 =	sld [smem:$0x3FD9]  }
0x1: {  	s2 =	sld [smem:$0x3FFE];
	_ =	sdelay $0x1  }
0x2: {  	s3 =	srdreg.scid  }
0x3: {  	s0 =	sand.u32 $0x1, s3  }
0x4: {  	s17 =	sshll.u32 s0, $0xA;
	s1 =	sadd.s32 s2, s1  }
0x5: {  	s1 =	sadd.s32 s1, s17  }
0x6: {  	[smem:$0x3FBC] =	sst s1  }
0x7: {  	_ = 	snop  }
0x8: {  	(tm) =	ssettm $0x1  }
0x9: {  	s18 =	sld [smem:$0x3FFB];
	_ =	sdelay $0x3  }
0xa: {  	_ =	strace s18  }
0xb: {  	s1 =	sld [smem:$0x3FFC];
	_ =	sdelay $0x3  }
0xc: {  	_ =	strace s1  }
0xd: {  	s1 =	sld [smem:$0x3FFD];
	_ =	sdelay $0x3  }
0xe: {  	_ =	strace s1  }
0xf: {  	_ =	strace $0x8FFFFFFF  }
0x10: {  	s19 =	sld [smem:$0x3FDB];
	_ =	sdelay $0x1  }
0x11: {  	s20 =	simm.s32 $_scs_section_size  }
0x12: {  	s4 =	simm.s32 $_size__tile_overlayer_lowered;
	s5 =	simm.s32 $_tile_overlayer_lowered  }
0x13: {  	s23 =	simm.s32 $0x1BFF;
	s22 =	sshll.u32 s5, $0x1;
	s1 =	sadd.s32 s20, s19  }
0x14: {  	s6 =	simm.s32 $0x0;
	s21 =	sshll.u32 s4, $0x1;
	s4 =	sadd.s32 s22, s1  }
0x15: {  	[timem:s6], [sflag:s23] =	dma.local [hbm:s4], s21  }
0x16: {  	_ =	swait.ge [sflag:s23], s21  }
0x17: {  	s2 =	ssub.s32 $0x0, s21;
	[sflag:s23] =	ssyncset.done $0x0  }
0x18: {  	[sflag:s23] =	ssyncadd.s32 s2;
	_ =	sdelay $0x1  }
0x19: {  	s24 =	simm.s32 $0x1B8B  }
0x1a: {  	_ =	swait.ge [sflag:s24], $0x1  }
0x1b: {  	[sflag:s24] =	ssyncset.done $0x0  }
0x1c: {  	s26 =	simm.s32 $0x1B8E;
	s25 =	sld [smem:$0x3FFE];
	[sflag:s24] =	ssyncadd.s32 $0xFFFFFFFF  }
0x1d: {  	s27 =	simm.s32 $execute0_lowered;
	[smem:$0x3FD2] =	sst s26  }
0x1e: {  	s4 =	sshll.u32 s27, $0x1;
	_ =	strace $0x80000046;
	[dreg:$0x1] =	wrdreg $0xFFFFFFFF  }
0x1f: {  	s28 =	simm.s32 $_size_execute0_lowered;
	s1 =	sadd.s32 s1, s4;
	[dreg:$0x0] =	wrdreg $0x0  }
0x20: {  	s4 =	sshll.u32 s28, $0x1;
	[dreg:$0x2] =	wrdreg s1  }
0x21: {  	[dreg:$0x3] =	wrdreg s4  }
0x22: {  	[dreg:$0x4] =	wrdreg $0xC0  }
0x23: {  	_ =	task [dreg:s6], $0x5FFFF  }
0x24: {  	[dreg:$0x1] =	wrdreg $0xFFFFFFFF  }
0x25: {  	[dreg:$0x0] =	wrdreg $0x60  }
0x26: {  	[dreg:$0x2] =	wrdreg s25  }
0x27: {  	[dreg:$0x3] =	wrdreg $0x9  }
0x28: {  	_ =	task.clear_ibuf [dreg:s6], $0x4FFFF;
	_ =	strace $0x90000046  }
0x29: {  	s29 =	simm.s32 $0x9;
	_ =	strace $0x80000048  }
0x2a: {  	_ =	swait.ge [sflag:s29], $0x1  }
0x2b: {  	[sflag:s29] =	ssyncadd.s32 $0xFFFFFFFF  }
0x2c: {  	_ =	strace $0x90000048  }
0x2d: {  	_ =	sfence  }
0x2e: {  	s30 =	sld [smem:$0x0];
	_ =	sdelay $0x2  }
0x2f: {  	s31 =	sshll.u32 s3, $0xD;
	s3 =	sshrl.u32 s3, $0x2  }
0x30: {  	s2 =	sand.u32 $0x4000, s31;
	s1 =	sadd.s32 s3, s30  }
0x31: {  	s0 =	sor.u32 s2, s0;
	s1 =	sshll.u32 s1, $0x11  }
0x32: {  	s0 =	sor.u32 s1, s0  }
0x33: {  	s0 =	sadd.s32 $0x8F2B, s0  }
0x34: {  	[sflag:s0] =	ssyncadd.remote.s32 $0x1  }
0x35: {  	_ =	sfence.sel $0xFFFF  }
0x36: {  	[dreg:$0x0] =	wrdreg $0xFFFFFFFF;
	(pc) =	sbr.abs _section_cstart, $3  }
0x37: {  	[dreg:$0x1] =	wrdreg $0xFFFFFFFF  }
0x38: {  	_ =	task.clear_ibuf [dreg:s6], $0x2FFFF;
	_ =	strace $0x9FFFFFFF  }
0x39: {  	(tm) =	ssettm $0x7FFFFFFF  }
tec
execute0_lowered:
.L_overlay_start_1:
0x0: {  	(tag) =	ssettag $0x1  }
0x1: {  	s0 =	srdreg.scid  }
0x2: {  	s6 =	rddreg [dreg:$0x0];
	s3 =	simm.s32 $0x1;
	s7 =	simm.s32 $0x2  }
0x3: {  	s8 =	simm.s32 $0x0;
	s9 =	simm.s32 $0x0;
	s1 =	sshll.u32 s0, $0x4  }
0x4: {  	s14 =	simm.s32 $0x0;
	s0 =	stileid.u32;
	s1 =	sand.u32 $0x10, s1  }
0x5: {  	s15 =	simm.s32 $0x0;
	s16 =	simm.s32 $0x0;
	s2 =	sor.u32 s0, s1  }
.Ltmp0:
0x6: {  	s10 =	simm.s32 $0x0;
	s4 =	ssub.s32 $0x8F, s2;
	(pc) =	sbr.rel .LBB1_1-.Ltmp0, $4  }
0x7: {  	s12 =	simm.s32 $0x0;
	s13 =	simm.s32 $0x0;
	s4 =	sshrl.u32 s4, $0x5  }
0x8: {  	s1 =	rddreg [dreg:$0x1];
	_ =	strace $0x80000047;
	s4 =	smul.u32 $0x7, s4  }
0x9: {  	s5 =	sadd.s32 $0x18BC00, s6;
	s6 =	sadd.s32 $0x3800, s6;
	[sflag:s3] =	ssyncpa.u1 $0x0  }
0xa: {  	s11 =	smov.u32 s2;
	[sflag:s7] =	ssyncpa.u1 $0x0;
	s7 =	sadd.s32 $0x1, s4  }
.LBB1_7:
0xb: {  	s17 =	sadd.s32 $0x10, s10  }
0xc: {  	s14 =	sadd.s32 $0x20, s11;
	s18 =	smov.u32 s11;
	p1 =	sgt.s32 s17, $0x6F  }
0xd: {  	s18 =	smov.u32 @p1 s14  }
0xe: {  	s20 =	smov.u32 s12;
	s14 =	sadd.s32 $0x8, s12;
	p2 =	sgt.s32 s18, $0x6F  }
0xf: {  	s20 =	smov.u32 @p2 s14  }
0x10: {  	s17 =	simm.s32 @p1 $0x0;
	p1 =	sgt.s32 s20, $0x7  }
0x11: {  	p0 =	slt.u32 s13, $0x2;
	s20 =	simm.s32 @p1 $0x0;
	p1 =	sne.s32 s13, s7  }
.Ltmp1:
0x12: {  	s19 =	simm.s32 @!p0 $0x2;
	(pc) =	sbr.rel @!p1 .LBB1_8-.Ltmp1, $4  }
0x13: {  	s15 =	smov.u32 s11;
	s16 =	smov.u32 s12;
	_ =	swait.ge @!p0 [sflag:s19], $0x4000  }
0x14: {  	s9 =	sadd.s32 $0x4000, s9;
	[sflag:s19] =	ssyncset.done @!p0 $0x0;
	s18 =	smov.u32 @p2 s2  }
0x15: {  	s14 =	smov.u32 s10;
	[sflag:s19] =	ssyncadd.s32 @!p0 $0xFFFFC000;
	s10 =	smov.u32 s17  }
0x16: {  	s11 =	smov.u32 s18;
	s13 =	sadd.s32 $0x1, s13;
	s12 =	smov.u32 s20  }
.LBB1_1:
0x17: {  	p0 =	sge.u32 s13, s4  }
0x18: {  	s17 =	sand.u32 @!p0 $0x1FFFFFF, s10;
	s19 =	smul.u32 @!p0 $0x31000, s12  }
0x19: {  	s18 =	smulhi.u32 @!p0 $0x2492493, s17  }
0x1a: {  	s21 =	smul.u32 @!p0 $0x700, s11  }
0x1b: {  	s18 =	smul.u32 @!p0 $0x70, s18  }
0x1c: {  	s31 =	sadd.s32 $0xFFFFFFFF, s13;
	s19 =	sadd.s32 @!p0 s5, s19  }
0x1d: {  	s20 =	sxor.u32 @!p0 $0xFFFFFFFF, s13;
	s19 =	sadd.s32 @!p0 s21, s19;
	s17 =	ssub.s32 @!p0 s17, s18  }
0x1e: {  	s18 =	sshll.u32 @!p0 s20, $0xE;
	s20 =	simm.s32 @!p0 $0x188000;
	s17 =	sshll.u32 @!p0 s17, $0x4  }
0x1f: {  	s18 =	sand.u32 @!p0 $0x4000, s18;
	s17 =	sadd.s32 @!p0 s17, s19;
	s19 =	simm.s32 @!p0 $0x800  }
0x20: {  	[tilespmem:s18], [sflag:$0x1] =	stream.strided.gather @!p0 [hbm4b:s17+s19], $0x4000, s20, s19, $0x38;
	[tilespmem:$0x10000] =	vst v63  }
0x21: {  	p0 =	sge.u32 s31, s4  }
.Ltmp2:
0x22: {  	_ = 	snop;
	(pc) =	sbr.rel @p0 .LBB1_7-.Ltmp2, $1  }
0x23: {  	_ =	sdelay $0x3  }
0x24: {  	s17 =	sand.u32 $0x4000, s9  }
0x25: {  	_ =	swait.ge [sflag:s3], $0x4000;
	s20 =	sshll.u32 s13, $0xE;
	s18 =	sor.u32 $0x8040, s17  }
0x26: {  	s19 =	sor.u32 $0x40, s17;
	[sflag:s3] =	ssyncset.done $0x0;
	s31 =	sand.u32 $0x4000, s20  }
0x27: {  	s20 =	simm.s32 $0x0;
	[sflag:s3] =	ssyncadd.s32 $0xFFFFC000;
	s17 =	sor.u32 $0x8000, s31  }
.LBB1_3:
0x28: {  	v0 =	vmov s19;
	_ =	sdelay $0x3  }
0x29: {  	s22 =	simm.s32 $0x0  }
0x2a: {  	v6 =	vld.idx.msk [tilespmem:v0+s22+$0x30 ss:$0x1], $0xffff  }
0x2b: {  	v7 =	vld.idx.msk [tilespmem:v0+s22+$0xFFFFFFC0 ss:$0x1], $0xffff  }
0x2c: {  	v5 =	vld.idx.msk [tilespmem:v0+s22+$0xFFFFFFD0 ss:$0x1], $0xffff  }
0x2d: {  	v4 =	vld.idx.msk [tilespmem:v0+s22+$0xFFFFFFE0 ss:$0x1], $0xffff  }
0x2e: {  	v3 =	vld.idx.msk [tilespmem:v0+s22+$0xFFFFFFF0 ss:$0x1], $0xffff  }
0x2f: {  	v1 =	vld.idx.msk [tilespmem:v0+s22+$0x0 ss:$0x1], $0xffff  }
0x30: {  	v2 =	vld.idx.msk [tilespmem:v0+s22+$0x10 ss:$0x1], $0xffff;
	[tilespmem:s18+$0x30] =	vst v6  }
0x31: {  	s21 =	simm.s32 $0x80;
	s23 =	simm.s32 $0x400;
	[tilespmem:s18+$0xFFFFFFC0] =	vst v7;
	v6 =	vld.idx.msk [tilespmem:v0+s22+$0x20 ss:$0x1], $0xffff;
	s22 =	smov.u32 s18  }
.LBB1_4:
0x32: {  	p0 =	sne.s32 s23, $0x1E00;
	v7 =	vld.idx.msk [tilespmem:v0+s21+$0x30 ss:$0x1], $0xffff;
	[tilespmem:s22+$0xFFFFFFD0] =	vst v5  }
0x33: {  	v8 =	vld.idx.msk [tilespmem:v0+s21+$0xFFFFFFC0 ss:$0x1], $0xffff;
	[tilespmem:s22+$0xFFFFFFE0] =	vst v4  }
0x34: {  	v5 =	vld.idx.msk [tilespmem:v0+s21+$0xFFFFFFD0 ss:$0x1], $0xffff;
	[tilespmem:s22+$0xFFFFFFF0] =	vst v3  }
.Ltmp3:
0x35: {  	v4 =	vld.idx.msk [tilespmem:v0+s21+$0xFFFFFFE0 ss:$0x1], $0xffff;
	[tilespmem:s22+$0x0] =	vst v1;
	(pc) =	sbr.rel @p0 .LBB1_4-.Ltmp3, $4  }
0x36: {  	v3 =	vld.idx.msk [tilespmem:v0+s21+$0xFFFFFFF0 ss:$0x1], $0xffff;
	[tilespmem:s22+$0x10] =	vst v2  }
0x37: {  	v1 =	vld.idx.msk [tilespmem:v0+s21+$0x0 ss:$0x1], $0xffff;
	[tilespmem:s22+$0x20] =	vst v6;
	s22 =	sadd.s32 $0x400, s22  }
0x38: {  	v2 =	vld.idx.msk [tilespmem:v0+s21+$0x10 ss:$0x1], $0xffff;
	[tilespmem:s22+$0x30] =	vst v7  }
0x39: {  	[tilespmem:s22+$0xFFFFFFC0] =	vst v8;
	v6 =	vld.idx.msk [tilespmem:v0+s21+$0x20 ss:$0x1], $0xffff;
	s21 =	sshra.s32 s23, $0x2;
	s23 =	sadd.s32 $0x200, s23  }
0x3a: {  	_ =	sdelay $0x2  }
0x3b: {  	[tilespmem:s22+$0xFFFFFFD0] =	vst v5  }
0x3c: {  	v56 =	vld.idx.msk [tilespmem:v0+s21+$0x30 ss:$0x1], $0xffff;
	[tilespmem:s22+$0xFFFFFFE0] =	vst v4  }
0x3d: {  	v57 =	vld.idx.msk [tilespmem:v0+s21+$0xFFFFFFC0 ss:$0x1], $0xffff;
	[tilespmem:s22+$0xFFFFFFF0] =	vst v3  }
0x3e: {  	v58 =	vld.idx.msk [tilespmem:v0+s21+$0xFFFFFFD0 ss:$0x1], $0xffff;
	[tilespmem:s22+$0x0] =	vst v1  }
0x3f: {  	v59 =	vld.idx.msk [tilespmem:v0+s21+$0xFFFFFFE0 ss:$0x1], $0xffff;
	[tilespmem:s22+$0x10] =	vst v2  }
0x40: {  	v60 =	vld.idx.msk [tilespmem:v0+s21+$0xFFFFFFF0 ss:$0x1], $0xffff;
	s31 =	sadd.s32 $0x400, s22;
	[tilespmem:s22+$0x20] =	vst v6  }
0x41: {  	v61 =	vld.idx.msk [tilespmem:v0+s21+$0x0 ss:$0x1], $0xffff;
	[tilespmem:s31+$0x30] =	vst v56  }
0x42: {  	v62 =	vld.idx.msk [tilespmem:v0+s21+$0x10 ss:$0x1], $0xffff;
	s20 =	sadd.s32 $0x1, s20;
	[tilespmem:s31+$0xFFFFFFC0] =	vst v57  }
0x43: {  	v63 =	vld.idx.msk [tilespmem:v0+s21+$0x20 ss:$0x1], $0xffff;
	p0 =	sne.s32 s20, $0x8;
	[tilespmem:s31+$0xFFFFFFD0] =	vst v58  }
.Ltmp4:
0x44: {  	[tilespmem:s31+$0xFFFFFFE0] =	vst v59;
	(pc) =	sbr.rel @p0 .LBB1_3-.Ltmp4, $4  }
0x45: {  	[tilespmem:s31+$0xFFFFFFF0] =	vst v60  }
0x46: {  	[tilespmem:s31+$0x0] =	vst v61  }
0x47: {  	[tilespmem:s31+$0x10] =	vst v62  }
0x48: {  	s18 =	sadd.s32 $0x80, s18;
	s19 =	sadd.s32 $0x800, s19;
	[tilespmem:s31+$0x20] =	vst v63  }
0x49: {  	s15 =	smul.u32 $0x3800, s15  }
.Ltmp5:
0x4a: {  	s16 =	sshll.u32 s16, $0x4;
	(pc) =	sbr.rel .LBB1_7-.Ltmp5, $4  }
0x4b: {  	s16 =	sand.u32 $0x70, s16;
	s15 =	sadd.s32 s6, s15  }
0x4c: {  	s14 =	sshll.u32 s14, $0x7;
	s15 =	sadd.s32 s16, s15  }
0x4d: {  	s14 =	sadd.s32 s14, s15  }
0x4e: {  	[hbm4b:s14+s8] =	stream.linear.scatter [tilespmem:s17], [sflag:$0x2], $0x4000, $0x38;
	[tilespmem:$0x10000] =	vst v63  }
.LBB1_8:
0x4f: {  	_ =	sfence.sel $0x180000  }
0x50: {  	s2 =	simm.s32 $0x1;
	[bflag:$0x0] =	sbarrier.arrive $0xFFFF  }
0x51: {  	s31 =	simm.s32 $0x2;
	[sflag:s2] =	ssyncpa.u1 $0x1  }
0x52: {  	[sflag:s31] =	ssyncpa.u1 $0x1  }
0x53: {  	p0 =	sne.s32 s0, $0x0;
	_ =	strace $0x90000047  }
0x54: {  	s0 =	sadd.s32 @!p0 $0x100000, s1;
	[bflag:$0x2] =	sbarrier.arrive $0xFFFF  }
0x55: {  	[sflag:s0] =	ssyncadd.tile.s32 @!p0 $0x1;
	_ =	shalt  }
.Lfunc_end1:
_tile_overlayer_lowered:
.L_overlay_start_2:
0x56: {  	(tag) =	ssettag $0x2  }
0x57: {  	s0 =	rddreg [dreg:$0x0];
	s2 =	stileid.u32  }
0x58: {  	s1 =	rddreg [dreg:$0x1];
	p0 =	sne.s32 s2, $0x0  }
0x59: {  	s3 =	rddreg [dreg:$0x2];
	[bflag:$0x3] =	sbarrier.arrive $0xFFFF;
	s2 =	simm.s32 @!p0 $0x1C01  }
0x5a: {  	[timem:s3], [sflag:s2] =	dma.local @!p0 [hbm:s0], s1  }
0x5b: {  	s0 =	simm.s32 @!p0 $0x1  }
0x5c: {  	_ =	swait.ge @!p0 [sflag:s0], s1  }
0x5d: {  	s1 =	ssub.s32 @!p0 $0x0, s1;
	[sflag:s0] =	ssyncset.done @!p0 $0x0  }
0x5e: {  	[sflag:s0] =	ssyncadd.s32 @!p0 s1  }
0x5f: {  	[bflag:$0x3] =	sbarrier.arrive $0xFFFF  }
0x60: {  	_ =	shalt  }

// kernel: sparse-core-data-format-call.cloned.1.call-start
scs
called_computation_lowered:
.L_overlay_start_0:
0x0: {  	s1 =	sld [smem:$0x3FD9]  }
0x1: {  	s2 =	sld [smem:$0x3FFE];
	_ =	sdelay $0x1  }
0x2: {  	s3 =	srdreg.scid  }
0x3: {  	s0 =	sand.u32 $0x1, s3  }
0x4: {  	s17 =	sshll.u32 s0, $0xA;
	s1 =	sadd.s32 s2, s1  }
0x5: {  	s1 =	sadd.s32 s1, s17  }
0x6: {  	[smem:$0x3FBC] =	sst s1  }
0x7: {  	_ = 	snop  }
0x8: {  	(tm) =	ssettm $0x1  }
0x9: {  	s18 =	sld [smem:$0x3FFB];
	_ =	sdelay $0x3  }
0xa: {  	_ =	strace s18  }
0xb: {  	s1 =	sld [smem:$0x3FFC];
	_ =	sdelay $0x3  }
0xc: {  	_ =	strace s1  }
0xd: {  	s1 =	sld [smem:$0x3FFD];
	_ =	sdelay $0x3  }
0xe: {  	_ =	strace s1  }
0xf: {  	_ =	strace $0x8FFFFFFF  }
0x10: {  	s19 =	sld [smem:$0x3FDB];
	_ =	sdelay $0x1  }
0x11: {  	s20 =	simm.s32 $_scs_section_size  }
0x12: {  	s4 =	simm.s32 $_size__tile_overlayer_lowered;
	s5 =	simm.s32 $_tile_overlayer_lowered  }
0x13: {  	s23 =	simm.s32 $0x1BFF;
	s22 =	sshll.u32 s5, $0x1;
	s1 =	sadd.s32 s20, s19  }
0x14: {  	s6 =	simm.s32 $0x0;
	s21 =	sshll.u32 s4, $0x1;
	s4 =	sadd.s32 s22, s1  }
0x15: {  	[timem:s6], [sflag:s23] =	dma.local [hbm:s4], s21  }
0x16: {  	_ =	swait.ge [sflag:s23], s21  }
0x17: {  	s2 =	ssub.s32 $0x0, s21;
	[sflag:s23] =	ssyncset.done $0x0  }
0x18: {  	[sflag:s23] =	ssyncadd.s32 s2;
	_ =	sdelay $0x1  }
0x19: {  	s24 =	simm.s32 $0x1B8B  }
0x1a: {  	_ =	swait.ge [sflag:s24], $0x1  }
0x1b: {  	[sflag:s24] =	ssyncset.done $0x0  }
0x1c: {  	s26 =	simm.s32 $0x1B8E;
	s25 =	sld [smem:$0x3FFE];
	[sflag:s24] =	ssyncadd.s32 $0xFFFFFFFF  }
0x1d: {  	s27 =	simm.s32 $execute0_lowered;
	[smem:$0x3FD2] =	sst s26  }
0x1e: {  	s4 =	sshll.u32 s27, $0x1;
	_ =	strace $0x80000049;
	[dreg:$0x1] =	wrdreg $0xFFFFFFFF  }
0x1f: {  	s28 =	simm.s32 $_size_execute0_lowered;
	s1 =	sadd.s32 s1, s4;
	[dreg:$0x0] =	wrdreg $0x0  }
0x20: {  	s4 =	sshll.u32 s28, $0x1;
	[dreg:$0x2] =	wrdreg s1  }
0x21: {  	[dreg:$0x3] =	wrdreg s4  }
0x22: {  	[dreg:$0x4] =	wrdreg $0xC0  }
0x23: {  	_ =	task [dreg:s6], $0x5FFFF  }
0x24: {  	[dreg:$0x1] =	wrdreg $0xFFFFFFFF  }
0x25: {  	[dreg:$0x0] =	wrdreg $0x60  }
0x26: {  	[dreg:$0x2] =	wrdreg s25  }
0x27: {  	[dreg:$0x3] =	wrdreg $0x9  }
0x28: {  	_ =	task.clear_ibuf [dreg:s6], $0x4FFFF;
	_ =	strace $0x90000049  }
0x29: {  	s29 =	simm.s32 $0x9;
	_ =	strace $0x8000004B  }
0x2a: {  	_ =	swait.ge [sflag:s29], $0x1  }
0x2b: {  	[sflag:s29] =	ssyncadd.s32 $0xFFFFFFFF  }
0x2c: {  	_ =	strace $0x9000004B  }
0x2d: {  	_ =	sfence  }
0x2e: {  	s30 =	sld [smem:$0x0];
	_ =	sdelay $0x2  }
0x2f: {  	s31 =	sshll.u32 s3, $0xD;
	s3 =	sshrl.u32 s3, $0x2  }
0x30: {  	s2 =	sand.u32 $0x4000, s31;
	s1 =	sadd.s32 s3, s30  }
0x31: {  	s0 =	sor.u32 s2, s0;
	s1 =	sshll.u32 s1, $0x11  }
0x32: {  	s0 =	sor.u32 s1, s0  }
0x33: {  	s0 =	sadd.s32 $0x8F2B, s0  }
0x34: {  	[sflag:s0] =	ssyncadd.remote.s32 $0x1  }
0x35: {  	_ =	sfence.sel $0xFFFF  }
0x36: {  	[dreg:$0x0] =	wrdreg $0xFFFFFFFF;
	(pc) =	sbr.abs _section_cstart, $3  }
0x37: {  	[dreg:$0x1] =	wrdreg $0xFFFFFFFF  }
0x38: {  	_ =	task.clear_ibuf [dreg:s6], $0x2FFFF;
	_ =	strace $0x9FFFFFFF  }
0x39: {  	(tm) =	ssettm $0x7FFFFFFF  }
tec
execute0_lowered:
.L_overlay_start_1:
0x0: {  	(tag) =	ssettag $0x1  }
0x1: {  	s1 =	stileid.u32;
	s0 =	rddreg [dreg:$0x0];
	_ =	strace $0x8000004A  }
0x2: {  	s5 =	srdreg.scid;
	s4 =	simm.s32 $0x1;
	s7 =	simm.s32 $0x2  }
0x3: {  	s19 =	simm.s32 $0x0;
	s18 =	simm.s32 $0x0;
	s20 =	simm.s32 $0x0  }
0x4: {  	s11 =	simm.s32 $0x0;
	s12 =	simm.s32 $0x0;
	s2 =	sshll.u32 s1, $0x2  }
0x5: {  	s13 =	simm.s32 $0x0;
	s15 =	simm.s32 $0x0;
	s1 =	ssub.s32 $0x39, s2  }
0x6: {  	s17 =	simm.s32 $0x0;
	s3 =	sadd.s32 $0x31FC00, s0;
	p0 =	sgt.s32 s1, $0x0  }
.Ltmp0:
0x7: {  	s5 =	sand.u32 $0x1, s5;
	s1 =	simm.s32 @!p0 $0x0;
	(pc) =	sbr.rel .LBB1_1-.Ltmp0, $4  }
0x8: {  	[sflag:s4] =	ssyncpa.u1 $0x0;
	s0 =	sadd.s32 $0x4B5E00, s0;
	s1 =	sand.u32 $0x3D, s1  }
0x9: {  	s6 =	sxor.u32 $0x1D, s5;
	[dreg:$0x2] =	wrdreg s0;
	p0 =	seq.s32 s1, $0x0  }
0xa: {  	[sflag:s7] =	ssyncpa.u1 $0x0;
	s14 =	smov.u32 s5;
	s6 =	simm.s32 @p0 $0x0  }
0xb: {  	s16 =	smov.u32 s2;
	p0 =	por $0x0, $0x0;
	s8 =	sadd.s32 $0x1, s6  }
.LBB1_13:
0xc: {  	s0 =	smul.u32 $0x7200, s13  }
0xd: {  	s1 =	sshll.u32 s17, $0xE;
	s9 =	rddreg [dreg:$0x2]  }
0xe: {  	s7 =	sshll.u32 s12, $0x8;
	s29 =	sshll.u32 s11, $0x9;
	s0 =	sadd.s32 s9, s0  }
0xf: {  	s30 =	simm.s32 $0x1000;
	s1 =	sand.u32 $0x4000, s1;
	s0 =	sadd.s32 s7, s0  }
0x10: {  	s31 =	simm.s32 $0x39000;
	s1 =	sor.u32 $0x8000, s1;
	s0 =	sadd.s32 s29, s0  }
0x11: {  	[hbm4b:s0+s30] =	stream.strided.scatter [tilespmem:s1], [sflag:$0x2], s21, s31, s30, $0x38;
	[tilespmem:$0x10000] =	vst v63  }
.LBB1_14:
0x12: {  	p1 =	slt.u32 s17, $0x2  }
0x13: {  	p2 =	sgt.s32 @!p1 s20, $0x35  }
0x14: {  	s0 =	smov.u32 s20;
	s7 =	smov.u32 s19;
	p2 =	por !p2, p1  }
0x15: {  	s1 =	sshra.s32 @!p1 s20, $0x1F;
	s0 =	simm.s32 @p2 $0x35;
	p2 =	sgt.s32 @!p1 s19, $0x38  }
0x16: {  	s9 =	sshra.s32 @!p1 s19, $0x1F;
	s1 =	sand.u32 @!p1 s1, s20;
	p2 =	por !p2, p1  }
0x17: {  	s0 =	ssub.s32 @!p1 s0, s1;
	s1 =	sand.u32 @!p1 s9, s19;
	s7 =	simm.s32 @p2 $0x38  }
0x18: {  	s0 =	sadd.s32 @!p1 $0xFFFFFFCB, s0;
	s1 =	ssub.s32 @!p1 s7, s1;
	s7 =	ssub.s32 @!p1 $0x0, s18  }
0x19: {  	p2 =	sgt.s32 @!p1 s0, $0x3;
	s0 =	sshll.u32 @!p1 s0, $0xB;
	s7 =	smin.u32 @!p1 s18, s7  }
0x1a: {  	s9 =	sadd.s32 @!p1 $0xFFFFFFC8, s1;
	s0 =	ssub.s32 @!p1 $0x2000, s0;
	p3 =	sgt.s32 @!p1 s7, $0x1  }
0x1b: {  	p2 =	por !p2, p1;
	s7 =	ssub.s32 @!p1 $0x2, s7;
	p3 =	por !p3, p1  }
0x1c: {  	s0 =	simm.s32 @!p2 $0x0;
	s7 =	simm.s32 @!p3 $0x0;
	p3 =	sgt.s32 @!p1 s9, $0x0  }
0x1d: {  	s1 =	ssub.s32 @!p1 $0x39, s1;
	p2 =	por !p3, p1;
	s0 =	smul.u32 @!p1 s7, s0  }
0x1e: {  	s1 =	simm.s32 @!p2 $0x0  }
0x1f: {  	s0 =	smul.u32 @!p1 s1, s0;
	s1 =	sadd.s32 $0x2, s14  }
0x20: {  	s9 =	smov.u32 s15;
	s7 =	sadd.s32 $0x2, s15;
	p2 =	sgt.s32 s1, $0x38  }
0x21: {  	s9 =	smov.u32 @p2 s7  }
0x22: {  	s21 =	smov.u32 s16;
	s7 =	sadd.s32 $0x40, s16;
	p3 =	sgt.s32 s9, $0x1  }
0x23: {  	p0 =	por !p0, !p0;
	s10 =	simm.s32 @!p1 $0x2;
	s21 =	smov.u32 @p3 s7  }
0x24: {  	s20 =	smov.u32 s13;
	s1 =	smov.u32 @p2 s5;
	p2 =	sgt.s32 s21, $0x38  }
0x25: {  	s13 =	smov.u32 s16;
	s21 =	smov.u32 @p2 s2;
	p2 =	sne.s32 s17, s8  }
.Ltmp1:
0x26: {  	s19 =	smov.u32 s11;
	s0 =	sand.u32 @!p1 $0x3FFFF800, s0;
	(pc) =	sbr.rel @!p2 .LBB1_15-.Ltmp1, $4  }
0x27: {  	s11 =	smov.u32 s14;
	s18 =	smov.u32 s12;
	_ =	swait.ge @!p1 [sflag:s10], s0  }
0x28: {  	s12 =	smov.u32 s15;
	s0 =	ssub.s32 @!p1 $0x0, s0;
	[sflag:s10] =	ssyncset.done @!p1 $0x0  }
0x29: {  	s14 =	smov.u32 s1;
	s9 =	simm.s32 @p3 $0x0;
	[sflag:s10] =	ssyncadd.s32 @!p1 s0  }
0x2a: {  	s15 =	smov.u32 s9;
	s17 =	sadd.s32 $0x1, s17;
	s16 =	smov.u32 s21  }
.LBB1_1:
0x2b: {  	p1 =	sge.u32 s17, s6  }
0x2c: {  	p2 =	sgt.s32 @!p1 s16, $0x35  }
0x2d: {  	s0 =	smov.u32 s16;
	s1 =	sshra.s32 @!p1 s16, $0x1F;
	p2 =	por !p2, p1  }
0x2e: {  	s7 =	smov.u32 s14;
	s1 =	sand.u32 @!p1 s1, s16;
	s0 =	simm.s32 @p2 $0x35  }
0x2f: {  	p3 =	sgt.s32 @!p1 s14, $0x38;
	s9 =	sshra.s32 @!p1 s14, $0x1F;
	s0 =	ssub.s32 @!p1 s0, s1  }
0x30: {  	p3 =	por !p3, p1;
	s9 =	sand.u32 @!p1 s9, s14;
	s1 =	sadd.s32 @!p1 $0xFFFFFFCB, s0  }
0x31: {  	s7 =	simm.s32 @p3 $0x38;
	p2 =	sgt.s32 @!p1 s1, $0x3;
	s1 =	ssub.s32 @!p1 $0x0, s15  }
0x32: {  	s7 =	ssub.s32 @!p1 s7, s9;
	s0 =	ssub.s32 @!p1 $0x39, s0;
	s1 =	smin.u32 @!p1 s15, s1  }
0x33: {  	s9 =	sadd.s32 @!p1 $0xFFFFFFC8, s7;
	p3 =	sgt.s32 @!p1 s1, $0x1;
	s1 =	sshll.u32 @!p1 s1, $0xB  }
0x34: {  	p2 =	por !p2, p1;
	s1 =	ssub.s32 @!p1 $0x1000, s1;
	p3 =	por !p3, p1  }
0x35: {  	s0 =	simm.s32 @!p2 $0x0;
	p2 =	sgt.s32 @!p1 s9, $0x0;
	s1 =	simm.s32 @!p3 $0x0  }
0x36: {  	s7 =	ssub.s32 @!p1 $0x39, s7;
	p2 =	por !p2, p1;
	s0 =	smul.u32 @!p1 s0, s1  }
0x37: {  	s7 =	simm.s32 @!p2 $0x0  }
0x38: {  	s0 =	smul.u32 @!p1 s7, s0  }
0x39: {  	s7 =	smul.u32 @!p1 $0x7200, s16  }
0x3a: {  	s31 =	sadd.s32 $0xFFFFFFFF, s17;
	s9 =	smul.u32 @!p1 $0x3900, s15;
	s1 =	sxor.u32 @!p1 $0xFFFFFFFF, s17  }
0x3b: {  	s10 =	sshll.u32 @!p1 s14, $0x8;
	s1 =	sshll.u32 @!p1 s1, $0xE;
	s7 =	sadd.s32 @!p1 s3, s7  }
0x3c: {  	s1 =	sand.u32 @!p1 $0x4000, s1;
	s0 =	sand.u32 @!p1 $0x3FFFF800, s0;
	s7 =	sadd.s32 @!p1 s9, s7  }
0x3d: {  	s9 =	simm.s32 @!p1 $0x800;
	s7 =	sadd.s32 @!p1 s10, s7;
	s10 =	simm.s32 @!p1 $0x1C800  }
0x3e: {  	[tilespmem:s1], [sflag:$0x1] =	stream.strided.gather @!p1 [hbm4b:s7+s9], s0, s10, s9, $0x38;
	[tilespmem:$0x10000] =	vst v63  }
0x3f: {  	p1 =	sge.u32 s31, s6  }
.Ltmp2:
0x40: {  	_ = 	snop;
	(pc) =	sbr.rel @p1 .LBB1_14-.Ltmp2, $1  }
0x41: {  	_ =	sdelay $0x3  }
0x42: {  	p1 =	sgt.s32 s13, $0x35;
	s0 =	smov.u32 s13  }
0x43: {  	s1 =	sshra.s32 s13, $0x1F;
	p2 =	sgt.s32 s11, $0x38;
	s7 =	smov.u32 s11  }
0x44: {  	s9 =	sshra.s32 s11, $0x1F;
	s0 =	simm.s32 @!p1 $0x35;
	s1 =	sand.u32 s1, s13  }
0x45: {  	s7 =	simm.s32 @!p2 $0x38;
	s9 =	sand.u32 s9, s11;
	s0 =	ssub.s32 s0, s1  }
0x46: {  	s30 =	ssub.s32 $0x0, s12;
	s7 =	ssub.s32 s7, s9;
	s1 =	sadd.s32 $0xFFFFFFCB, s0  }
0x47: {  	s0 =	ssub.s32 $0x39, s0;
	p1 =	sgt.s32 s1, $0x3;
	s1 =	smin.u32 s12, s30  }
0x48: {  	s31 =	sadd.s32 $0xFFFFFFC8, s7;
	p2 =	sgt.s32 s1, $0x1;
	s1 =	ssub.s32 $0x2, s1  }
0x49: {  	s0 =	simm.s32 @p1 $0x0;
	p1 =	sgt.s32 s31, $0x0;
	s1 =	simm.s32 @p2 $0x0  }
0x4a: {  	s0 =	smul.u32 s1, s0;
	s1 =	ssub.s32 $0x39, s7;
	s7 =	sadd.s32 $0x4, s13  }
0x4b: {  	s9 =	sadd.s32 $0x2, s12;
	s1 =	simm.s32 @p1 $0x0;
	p1 =	slt.s32 s7, $0x39  }
0x4c: {  	s0 =	smul.u32 s1, s0;
	s7 =	simm.s32 @!p1 $0x39;
	p1 =	slt.s32 s9, $0x2  }
0x4d: {  	s1 =	sadd.s32 $0x1, s11;
	s22 =	ssub.s32 s7, s13;
	s9 =	simm.s32 @!p1 $0x2  }
0x4e: {  	p1 =	slt.s32 s1, $0x39;
	s23 =	ssub.s32 s9, s12;
	p2 =	slt.s32 s22, $0x1  }
0x4f: {  	s1 =	simm.s32 @!p1 $0x39;
	p1 =	slt.s32 @!p2 s23, $0x1  }
0x50: {  	s24 =	ssub.s32 s1, s11;
	p1 =	por p2, p1  }
0x51: {  	p2 =	slt.s32 @!p1 s24, $0x1  }
0x52: {  	p1 =	por p1, p2  }
.Ltmp3:
0x53: {  	s0 =	sshll.u32 s0, $0xB;
	(pc) =	sbr.rel @p1 .LBB1_13-.Ltmp3, $4  }
0x54: {  	s21 =	sand.u32 $0x3FFFF800, s0  }
0x55: {  	_ =	swait.ge [sflag:s4], s21  }
0x56: {  	s0 =	ssub.s32 $0x0, s21;
	[sflag:s4] =	ssyncset.done $0x0  }
0x57: {  	[sflag:s4] =	ssyncadd.s32 s0  }
0x58: {  	s0 =	simm.s32 $0x1  }
0x59: {  	s0 =	simm.s32 @!p0 $0x0  }
0x5a: {  	s1 =	sshll.u32 s0, $0xE  }
0x5b: {  	s27 =	simm.s32 $0x0;
	s0 =	sor.u32 $0x8000, s1;
	s1 =	sor.u32 $0x40, s1  }
.LBB1_4:
0x5c: {  	s26 =	smov.u32 s1;
	s25 =	smov.u32 s0;
	s30 =	simm.s32 $0x0  }
.LBB1_5:
0x5d: {  	s31 =	simm.s32 $0x0;
	s28 =	smov.u32 s26;
	s29 =	smov.u32 s25  }
.LBB1_6:
0x5e: {  	p2 =	por $0x1, $0x1;
	s7 =	simm.s32 $0x0  }
.LBB1_7:
0x5f: {  	s7 =	sshll.u32 s7, $0x2  }
0x60: {  	s7 =	sshra.s32 s7, $0x2  }
0x61: {  	s9 =	sadd.s32 s7, s28  }
0x62: {  	v1 =	vmov s9;
	_ =	sdelay $0x3  }
0x63: {  	s9 =	simm.s32 $0x0  }
0x64: {  	s7 =	sadd.s32 s7, s29;
	v7 =	vld.idx.msk [tilespmem:v1+s9+$0x30 ss:$0x1], $0xffff  }
0x65: {  	v0 =	vmov s7;
	v8 =	vld.idx.msk [tilespmem:v1+s9+$0xFFFFFFC0 ss:$0x1], $0xffff  }
0x66: {  	v6 =	vld.idx.msk [tilespmem:v1+s9+$0xFFFFFFD0 ss:$0x1], $0xffff  }
0x67: {  	v5 =	vld.idx.msk [tilespmem:v1+s9+$0xFFFFFFE0 ss:$0x1], $0xffff  }
0x68: {  	v4 =	vld.idx.msk [tilespmem:v1+s9+$0xFFFFFFF0 ss:$0x1], $0xffff  }
0x69: {  	v2 =	vld.idx.msk [tilespmem:v1+s9+$0x0 ss:$0x1], $0xffff  }
0x6a: {  	v3 =	vld.idx.msk [tilespmem:v1+s9+$0x10 ss:$0x1], $0xffff;
	[tilespmem:v0+s9+$0x70 ss:$0x1] =	vst.idx.msk $0xffff, v7  }
0x6b: {  	p1 =	por p2, p2;
	s10 =	simm.s32 $0x80;
	s7 =	simm.s32 $0x400;
	[tilespmem:v0+s9+$0x0 ss:$0x1] =	vst.idx.msk $0xffff, v8;
	v7 =	vld.idx.msk [tilespmem:v1+s9+$0x20 ss:$0x1], $0xffff  }
.LBB1_8:
0x6c: {  	p2 =	sne.s32 s7, $0xE00;
	v8 =	vld.idx.msk [tilespmem:v1+s10+$0x30 ss:$0x1], $0xffff;
	[tilespmem:v0+s9+$0x10 ss:$0x1] =	vst.idx.msk $0xffff, v6  }
0x6d: {  	v9 =	vld.idx.msk [tilespmem:v1+s10+$0xFFFFFFC0 ss:$0x1], $0xffff;
	[tilespmem:v0+s9+$0x20 ss:$0x1] =	vst.idx.msk $0xffff, v5  }
0x6e: {  	v6 =	vld.idx.msk [tilespmem:v1+s10+$0xFFFFFFD0 ss:$0x1], $0xffff;
	[tilespmem:v0+s9+$0x30 ss:$0x1] =	vst.idx.msk $0xffff, v4  }
.Ltmp4:
0x6f: {  	v5 =	vld.idx.msk [tilespmem:v1+s10+$0xFFFFFFE0 ss:$0x1], $0xffff;
	[tilespmem:v0+s9+$0x40 ss:$0x1] =	vst.idx.msk $0xffff, v2;
	(pc) =	sbr.rel @p2 .LBB1_8-.Ltmp4, $4  }
0x70: {  	v4 =	vld.idx.msk [tilespmem:v1+s10+$0xFFFFFFF0 ss:$0x1], $0xffff;
	[tilespmem:v0+s9+$0x50 ss:$0x1] =	vst.idx.msk $0xffff, v3  }
0x71: {  	v2 =	vld.idx.msk [tilespmem:v1+s10+$0x0 ss:$0x1], $0xffff;
	[tilespmem:v0+s9+$0x60 ss:$0x1] =	vst.idx.msk $0xffff, v7;
	s9 =	smov.u32 s10  }
0x72: {  	v3 =	vld.idx.msk [tilespmem:v1+s9+$0x10 ss:$0x1], $0xffff;
	[tilespmem:v0+s9+$0x70 ss:$0x1] =	vst.idx.msk $0xffff, v8  }
0x73: {  	s10 =	sshra.s32 s7, $0x2;
	s7 =	sadd.s32 $0x200, s7;
	[tilespmem:v0+s9+$0x0 ss:$0x1] =	vst.idx.msk $0xffff, v9;
	v7 =	vld.idx.msk [tilespmem:v1+s9+$0x20 ss:$0x1], $0xffff  }
0x74: {  	_ =	sdelay $0x3  }
0x75: {  	[tilespmem:v0+s9+$0x10 ss:$0x1] =	vst.idx.msk $0xffff, v6  }
0x76: {  	v56 =	vld.idx.msk [tilespmem:v1+s10+$0x30 ss:$0x1], $0xffff;
	[tilespmem:v0+s9+$0x20 ss:$0x1] =	vst.idx.msk $0xffff, v5  }
0x77: {  	v57 =	vld.idx.msk [tilespmem:v1+s10+$0xFFFFFFC0 ss:$0x1], $0xffff;
	[tilespmem:v0+s9+$0x30 ss:$0x1] =	vst.idx.msk $0xffff, v4  }
0x78: {  	v58 =	vld.idx.msk [tilespmem:v1+s10+$0xFFFFFFD0 ss:$0x1], $0xffff;
	[tilespmem:v0+s9+$0x40 ss:$0x1] =	vst.idx.msk $0xffff, v2  }
0x79: {  	v59 =	vld.idx.msk [tilespmem:v1+s10+$0xFFFFFFE0 ss:$0x1], $0xffff;
	[tilespmem:v0+s9+$0x50 ss:$0x1] =	vst.idx.msk $0xffff, v3  }
0x7a: {  	v60 =	vld.idx.msk [tilespmem:v1+s10+$0xFFFFFFF0 ss:$0x1], $0xffff;
	[tilespmem:v0+s9+$0x60 ss:$0x1] =	vst.idx.msk $0xffff, v7  }
0x7b: {  	v61 =	vld.idx.msk [tilespmem:v1+s10+$0x0 ss:$0x1], $0xffff;
	[tilespmem:v0+s10+$0x70 ss:$0x1] =	vst.idx.msk $0xffff, v56  }
0x7c: {  	v62 =	vld.idx.msk [tilespmem:v1+s10+$0x10 ss:$0x1], $0xffff;
	[tilespmem:v0+s10+$0x0 ss:$0x1] =	vst.idx.msk $0xffff, v57  }
0x7d: {  	v63 =	vld.idx.msk [tilespmem:v1+s10+$0x20 ss:$0x1], $0xffff;
	[tilespmem:v0+s10+$0x10 ss:$0x1] =	vst.idx.msk $0xffff, v58  }
.Ltmp5:
0x7e: {  	[tilespmem:v0+s10+$0x20 ss:$0x1] =	vst.idx.msk $0xffff, v59;
	(pc) =	sbr.rel @p1 .LBB1_7-.Ltmp5, $4  }
0x7f: {  	[tilespmem:v0+s10+$0x30 ss:$0x1] =	vst.idx.msk $0xffff, v60  }
0x80: {  	[tilespmem:v0+s10+$0x40 ss:$0x1] =	vst.idx.msk $0xffff, v61  }
0x81: {  	[tilespmem:v0+s10+$0x50 ss:$0x1] =	vst.idx.msk $0xffff, v62  }
0x82: {  	s7 =	simm.s32 $0x400;
	p2 =	por $0x0, $0x0;
	[tilespmem:v0+s10+$0x60 ss:$0x1] =	vst.idx.msk $0xffff, v63  }
0x83: {  	s31 =	sadd.s32 $0x1, s31  }
0x84: {  	p1 =	sne.s32 s31, s24  }
.Ltmp6:
0x85: {  	_ = 	snop;
	(pc) =	sbr.rel @p1 .LBB1_6-.Ltmp6, $2  }
0x86: {  	_ =	sdelay $0x2  }
0x87: {  	s29 =	sadd.s32 $0x1000, s29;
	s28 =	sadd.s32 $0x800, s28  }
0x88: {  	s30 =	sadd.s32 $0x1, s30  }
0x89: {  	p1 =	sne.s32 s30, s23  }
.Ltmp7:
0x8a: {  	_ = 	snop;
	(pc) =	sbr.rel @p1 .LBB1_5-.Ltmp7, $2  }
0x8b: {  	_ =	sdelay $0x2  }
0x8c: {  	s25 =	sadd.s32 $0x800, s25;
	s26 =	sadd.s32 $0x800, s26  }
0x8d: {  	s27 =	sadd.s32 $0x1, s27  }
0x8e: {  	p1 =	sne.s32 s27, s22  }
.Ltmp8:
0x8f: {  	_ = 	snop;
	(pc) =	sbr.rel @p1 .LBB1_4-.Ltmp8, $4  }
.Ltmp9:
0x90: {  	_ = 	snop;
	(pc) =	sbr.rel @!p1 .LBB1_13-.Ltmp9, $4  }
0x91: {  	_ = 	snop  }
0x92: {  	_ = 	snop  }
0x93: {  	s0 =	sadd.s32 $0x1000, s0;
	s1 =	sadd.s32 $0x1000, s1  }
0x94: {  	_ = 	snop  }
.LBB1_15:
0x95: {  	_ =	sfence.sel $0x180000  }
0x96: {  	s0 =	simm.s32 $0x1;
	[bflag:$0x0] =	sbarrier.arrive $0xFFFF  }
0x97: {  	s30 =	simm.s32 $0x2;
	[sflag:s0] =	ssyncpa.u1 $0x1  }
0x98: {  	[sflag:s30] =	ssyncpa.u1 $0x1  }
0x99: {  	_ =	strace $0x9000004A  }
0x9a: {  	s31 =	stileid.u32;
	[bflag:$0x2] =	sbarrier.arrive $0xFFFF  }
0x9b: {  	p0 =	sne.s32 s31, $0x0;
	s0 =	rddreg [dreg:$0x1]  }
0x9c: {  	s0 =	sadd.s32 @!p0 $0x100000, s0  }
0x9d: {  	[sflag:s0] =	ssyncadd.tile.s32 @!p0 $0x1;
	_ =	shalt  }
.Lfunc_end1:
_tile_overlayer_lowered:
.L_overlay_start_2:
0x9e: {  	(tag) =	ssettag $0x2  }
0x9f: {  	s0 =	rddreg [dreg:$0x0];
	s2 =	stileid.u32  }
0xa0: {  	s1 =	rddreg [dreg:$0x1];
	p0 =	sne.s32 s2, $0x0  }
0xa1: {  	s3 =	rddreg [dreg:$0x2];
	[bflag:$0x3] =	sbarrier.arrive $0xFFFF;
	s2 =	simm.s32 @!p0 $0x1C01  }
0xa2: {  	[timem:s3], [sflag:s2] =	dma.local @!p0 [hbm:s0], s1  }
0xa3: {  	s0 =	simm.s32 @!p0 $0x1  }
0xa4: {  	_ =	swait.ge @!p0 [sflag:s0], s1  }
0xa5: {  	s1 =	ssub.s32 @!p0 $0x0, s1;
	[sflag:s0] =	ssyncset.done @!p0 $0x0  }
0xa6: {  	[sflag:s0] =	ssyncadd.s32 @!p0 s1  }
0xa7: {  	[bflag:$0x3] =	sbarrier.arrive $0xFFFF  }
0xa8: {  	_ =	shalt  }

</sc_bundles>
